<compile_context>
chip_gen: v7x
topology: tpu7x:2x2x1
jax: 0.10.2.dev20260603
libtpu: 0.0.44.dev20260713+nightly
codegen_flags: <defaults>
</compile_context>

<pallas_src>
import functools

import jax
import jax.numpy as jnp
from jax import lax
from jax.experimental import pallas as pl
from jax.experimental.pallas import tpu as pltpu
from jax.experimental.pallas import tpu_sc as plsc

CAT = 26
NUMD = 50
XDIM = CAT + NUMD
VOCAB = 100000
EMB = 16
FDIM = 128
CAT_EMB = CAT * EMB
NPLANE = 4
_VB = 4096
_NQ = 25
_PGRP = 4
VPAD = _NQ * _VB


def _transpose_tables(tables_2d):

    def body(a_ref, out_ref):
        out_ref[...] = jnp.transpose(a_ref[...], (1, 0))

    return pl.pallas_call(
        body,
        grid=(_PGRP, _NQ),
        in_specs=[pl.BlockSpec((8 * EMB, _VB), lambda p, q: (p, q))],
        out_specs=pl.BlockSpec((_VB, 8 * EMB), lambda p, q: (p * _NQ + q, 0)),
        out_shape=jax.ShapeDtypeStruct((_PGRP * _NQ * _VB, 8 * EMB), jnp.float32),
    )(tables_2d)


@functools.lru_cache(maxsize=None)
def _make_gather(n_tok: int):
    info = plsc.get_sparse_core_info()
    nw = info.num_cores * info.num_subcores
    tok_per_w = n_tok // nw
    assert tok_per_w * nw == n_tok
    halves = 1 if tok_per_w <= 3200 else 2
    tchunk = tok_per_w // halves
    mesh = plsc.VectorSubcoreMesh(core_axis_name="c", subcore_axis_name="s")

    @functools.partial(
        pl.kernel,
        mesh=mesh,
        compiler_params=pltpu.CompilerParams(use_tc_tiling_on_sc=False),
        out_type=jax.ShapeDtypeStruct((NPLANE, n_tok, FDIM), jnp.float32),
        scratch_types=[
            pltpu.VMEM((2, tchunk), jnp.int32),
            pltpu.VMEM((2, tchunk, EMB), jnp.float32),
            pltpu.SemaphoreType.DMA,
            pltpu.SemaphoreType.DMA,
        ],
    )
    def gather_k(idx_hbm, table_hbm, out_hbm, idx_v, rows_v, gsem, wsem):
        wid = lax.axis_index("s") * info.num_cores + lax.axis_index("c")
        w_base = wid * tok_per_w
        nstep = halves * CAT

        def idx_load(s):
            pltpu.sync_copy(
                idx_hbm.at[
                    s // halves, pl.ds(w_base + (s % halves) * tchunk, tchunk)
                ],
                idx_v.at[s % 2],
            )

        def out_slice(s):
            c = s // halves
            tok = w_base + (s % halves) * tchunk
            return out_hbm.at[
                c // 8, pl.ds(tok, tchunk), pl.ds((c % 8) * EMB, EMB)
            ]

        def gather_copy(s):
            return pltpu.make_async_copy(
                table_hbm.at[idx_v.at[s % 2]], rows_v.at[s % 2], gsem
            )

        def write_copy(s):
            return pltpu.make_async_copy(rows_v.at[s % 2], out_slice(s), wsem)

        idx_load(0)
        gather_copy(0).start()
        idx_load(1)

        def body(s, carry):
            gather_copy(s).wait()
            write_copy(s).start()

            @pl.when(s + 2 < nstep)
            def _():
                idx_load(s + 2)

            @pl.when(s + 1 < nstep)
            def _():
                @pl.when(s >= 1)
                def _():
                    write_copy(s - 1).wait()

                gather_copy(s + 1).start()

            return carry

        lax.fori_loop(0, nstep, body, 0)
        write_copy(nstep - 2).wait()
        write_copy(nstep - 1).wait()

    return gather_k


_TB = 2048


def _matmul_chunk(
    planes3, xt, Wn_pad, bn, Wocat, Wonum, bo, out_prev, n, s0, s_chunk, b_dim
):
    nb = b_dim // _TB

    def body(cp, x_ref, wn_ref, bn_ref, wc_ref, wo_ref, bo_ref, *prev_out):
        out_ref = prev_out[-1]
        lane = lax.broadcasted_iota(jnp.int32, (_TB, FDIM), 1)
        c3v = jnp.where(lane < CAT_EMB - 3 * FDIM, cp[3], 0.0)
        cat = jnp.concatenate([cp[0], cp[1], cp[2], c3v], axis=1)
        num_emb = (
            jnp.dot(x_ref[0], wn_ref[...], preferred_element_type=jnp.float32)
            + bn_ref[...]
        )
        acc = jnp.dot(cat, wc_ref[...], preferred_element_type=jnp.float32)
        acc = acc + jnp.dot(num_emb, wo_ref[...], preferred_element_type=jnp.float32)
        out_ref[...] = acc + bo_ref[...]

    in_specs = [
        pl.BlockSpec((NPLANE, _TB, FDIM), lambda i, j: (0, i * nb + j, 0)),
        pl.BlockSpec((1, _TB, XDIM), lambda i, j: (s0 + i, j, 0)),
        pl.BlockSpec((XDIM, NUMD), lambda i, j: (0, 0)),
        pl.BlockSpec((1, NUMD), lambda i, j: (0, 0)),
        pl.BlockSpec((NPLANE * FDIM, FDIM), lambda i, j: (0, 0)),
        pl.BlockSpec((NUMD, FDIM), lambda i, j: (0, 0)),
        pl.BlockSpec((1, FDIM), lambda i, j: (0, 0)),
    ]
    args = [planes3, xt, Wn_pad, bn, Wocat, Wonum, bo]
    aliases = {}
    if out_prev is not None:
        in_specs.append(pl.BlockSpec(memory_space=pl.ANY))
        args.append(out_prev)
        aliases = {7: 0}
    return pl.pallas_call(
        body,
        grid=(s_chunk, nb),
        in_specs=in_specs,
        out_specs=pl.BlockSpec((_TB, FDIM), lambda i, j: ((s0 + i) * nb + j, 0)),
        out_shape=jax.ShapeDtypeStruct((n, FDIM), jnp.float32),
        input_output_aliases=aliases,
    )(*args)


_K = 2


def kernel(x, tables, Wn, bn, Wo, bo):
    b, s, _ = x.shape
    n = b * s
    sk = s // _K
    nc = sk * b
    xt = jnp.swapaxes(x, 0, 1)
    cols = jnp.arange(CAT, dtype=jnp.int32)
    base_c = ((cols >> 3) * (_NQ * _VB * 8) + (cols & 7))[:, None, None]
    tbl_lin = _transpose_tables(
        jnp.swapaxes(tables, 1, 2).reshape(CAT * EMB, VOCAB)
    ).reshape(_PGRP * _NQ * _VB * 8, EMB)
    Wn_pad = jnp.concatenate([jnp.zeros((CAT, NUMD), jnp.float32), Wn], axis=0)
    Wo_pad = jnp.concatenate(
        [Wo[:CAT_EMB], jnp.zeros((NPLANE * FDIM - CAT_EMB, FDIM), jnp.float32)],
        axis=0,
    )
    bn2 = bn.reshape(1, NUMD)
    bo2 = bo.reshape(1, FDIM)
    outbuf = None
    for k in range(_K):
        v = jnp.transpose(
            xt[k * sk : (k + 1) * sk, :, :CAT].astype(jnp.int32), (2, 0, 1)
        )
        idx_k = (base_c + ((v >> 12) << 15) + ((v & (_VB - 1)) << 3)).reshape(
            CAT, nc
        )
        planes_k = _make_gather(nc)(idx_k, tbl_lin)
        outbuf = _matmul_chunk(
            planes_k, xt, Wn_pad, bn2, Wo_pad, Wo[CAT_EMB:], bo2,
            outbuf, n, k * sk, sk, b,
        )
    return jnp.swapaxes(outbuf.reshape(s, b, FDIM), 0, 1)

# --- scband reference (transcript-rebuilt; emitter-appended) ---
"""Pipeline reference for scband-feature-embedder-1219770712424 (READ-ONLY COPY).

The authoritative reference and input builder live on the scoring server;
editing this copy changes nothing except your own understanding.
"""

import jax, jax.numpy as jnp
import numpy as np

CAT_LEN = 26
NUM_DIM = 50
VOCAB = 100000
EMB_DIM = 16
FEATURE_DIM = 128
BATCH = 4096
SEQ = 50


def setup_inputs(seed: int = 0) -> dict:
    key = jax.random.key(seed)
    ks = jax.random.split(key, 6)
    # single float tensor: first 26 columns are categorical ids (stored as float),
    # remaining 50 columns are numeric features (harness fill=randint per spec)
    x = jax.random.randint(ks[0], (BATCH, SEQ, CAT_LEN + NUM_DIM), 0, VOCAB).astype(jnp.float32)
    # 26 embedding tables, each [VOCAB, EMB_DIM] (emb_dim_real = min(16, 100000//2+1) = 16)
    tables = jax.random.normal(ks[1], (CAT_LEN, VOCAB, EMB_DIM), dtype=jnp.float32)
    Wn = jax.random.normal(ks[2], (NUM_DIM, NUM_DIM), dtype=jnp.float32) * 0.02
    bn = jnp.zeros((NUM_DIM,), dtype=jnp.float32)
    Wo = jax.random.normal(ks[3], (CAT_LEN * EMB_DIM + NUM_DIM, FEATURE_DIM), dtype=jnp.float32) * 0.02
    bo = jnp.zeros((FEATURE_DIM,), dtype=jnp.float32)
    return {"x": x, "tables": tables, "Wn": Wn, "bn": bn, "Wo": Wo, "bo": bo}


def reference(x, tables, Wn, bn, Wo, bo):
    # cat_x = x[..., :cat_len].long()
    cat_idx = x[..., :CAT_LEN].astype(jnp.int32)
    # per-column embedding lookups, then concat on last dim
    embs = [jnp.take(tables[i], cat_idx[..., i], axis=0) for i in range(CAT_LEN)]
    cat_emb = jnp.concatenate(embs, axis=-1)  # [B, S, 26*16]
    # num_linear
    num_x = x[..., CAT_LEN:]
    num_emb = num_x @ Wn + bn  # [B, S, 50]
    # out_linear
    out = jnp.concatenate([cat_emb, num_emb], axis=-1) @ Wo + bo  # [B, S, 128]
    return out

if __name__ == "__main__":
    import jax
    _d = setup_inputs()
    print(jax.jit(kernel)(*tuple(_d.values())))

</pallas_src>

<mosaic_0001>
#map = affine_map<(d0, d1) -> (0, 0)>
#map1 = affine_map<(d0, d1) -> (0, 0, 0)>
module attributes {stable_mosaic.version = 14 : i64} {
  func.func @gather_k(%arg0: i32, %arg1: i32, %arg2: memref<26x102400xi32, #tpu.memory_space<hbm>>, %arg3: memref<3276800x16xf32, #tpu.memory_space<hbm>>, %arg4: memref<4x102400x128xf32, #tpu.memory_space<hbm>>, %arg5: memref<2x3200xi32, #tpu.memory_space<vmem>>, %arg6: memref<2x3200x16xf32, #tpu.memory_space<vmem>>, %arg7: memref<!tpu.dma_semaphore, #tpu.memory_space<semaphore_mem>>, %arg8: memref<!tpu.dma_semaphore, #tpu.memory_space<semaphore_mem>>) attributes {dimension_semantics = [#tpu.dimension_semantics<core_parallel>, #tpu.dimension_semantics<subcore_parallel>], iteration_bounds = array<i64: 2, 16>, scalar_prefetch = 0 : i64, scratch_operands = 4 : i64, tpu.core_type = #tpu.core_type<sc_vector_subcore>, window_params = [{transform_indices = #map}, {transform_indices = #map}, {transform_indices = #map1}]} {
    %mul3A = arith.constant 2 : i32
    %mul3A_0 = arith.muli %arg1, %mul3A : i32
    %add3A = arith.addi %mul3A_0, %arg0 : i32
    %mul3A_1 = arith.constant 3200 : i32
    %mul3A_2 = arith.muli %add3A, %mul3A_1 : i32
    %add3A_3 = arith.constant 0 : i32
    %add3A_4 = arith.addi %mul3A_2, %add3A_3 : i32
    %run_scoped3A = arith.constant 0 : i32
    %run_scoped3A_5 = arith.constant 0 : i32
    "tpu.region"() ({
      %run_scoped3A_61 = tpu.sem_alloc : memref<!tpu.dma_semaphore, #tpu.memory_space<semaphore_mem>>
      %dma_start3A_62 = arith.constant 0 : i32
      %dma_start3A_63 = tpu.memref_slice %arg5[%run_scoped3A_5, %dma_start3A_62] : memref<2x3200xi32, #tpu.memory_space<vmem>> -> memref<1x3200xi32, #tpu.memory_space<vmem>>
      %dma_start3A_64 = tpu.memref_squeeze %dma_start3A_63 : memref<1x3200xi32, #tpu.memory_space<vmem>> -> memref<3200xi32, #tpu.memory_space<vmem>>
      %dma_start3A_65 = tpu.memref_slice %arg2[%run_scoped3A, %add3A_4] : memref<26x102400xi32, #tpu.memory_space<hbm>> -> memref<1x3200xi32, #tpu.memory_space<hbm>>
      %dma_start3A_66 = tpu.memref_squeeze %dma_start3A_65 : memref<1x3200xi32, #tpu.memory_space<hbm>> -> memref<3200xi32, #tpu.memory_space<hbm>>
      %dma_start3A_67 = arith.constant 0 : i32
      %dma_start3A_68 = tpu.memref_slice %arg5[%run_scoped3A_5, %dma_start3A_67] : memref<2x3200xi32, #tpu.memory_space<vmem>> -> memref<1x3200xi32, #tpu.memory_space<vmem>>
      %dma_start3A_69 = tpu.memref_squeeze %dma_start3A_68 : memref<1x3200xi32, #tpu.memory_space<vmem>> -> memref<3200xi32, #tpu.memory_space<vmem>>
      %dma_start3A_70 = tpu.memref_slice %arg2[%run_scoped3A, %add3A_4] : memref<26x102400xi32, #tpu.memory_space<hbm>> -> memref<1x3200xi32, #tpu.memory_space<hbm>>
      %dma_start3A_71 = tpu.memref_squeeze %dma_start3A_70 : memref<1x3200xi32, #tpu.memory_space<hbm>> -> memref<3200xi32, #tpu.memory_space<hbm>>
      tpu.enqueue_dma source(%dma_start3A_71 : memref<3200xi32, #tpu.memory_space<hbm>>) target(%dma_start3A_69 : memref<3200xi32, #tpu.memory_space<vmem>>) target_semaphore(%run_scoped3A_61 : memref<!tpu.dma_semaphore, #tpu.memory_space<semaphore_mem>>)
      %dma_wait3A_72 = arith.constant 0 : i32
      %dma_wait3A_73 = tpu.memref_slice %arg5[%run_scoped3A_5, %dma_wait3A_72] : memref<2x3200xi32, #tpu.memory_space<vmem>> -> memref<1x3200xi32, #tpu.memory_space<vmem>>
      %dma_wait3A_74 = tpu.memref_squeeze %dma_wait3A_73 : memref<1x3200xi32, #tpu.memory_space<vmem>> -> memref<3200xi32, #tpu.memory_space<vmem>>
      %dma_wait3A_75 = tpu.memref_slice %arg2[%run_scoped3A, %add3A_4] : memref<26x102400xi32, #tpu.memory_space<hbm>> -> memref<1x3200xi32, #tpu.memory_space<hbm>>
      %dma_wait3A_76 = tpu.memref_squeeze %dma_wait3A_75 : memref<1x3200xi32, #tpu.memory_space<hbm>> -> memref<3200xi32, #tpu.memory_space<hbm>>
      %dma_wait3A_77 = arith.constant 0 : i32
      %dma_wait3A_78 = tpu.memref_slice %arg5[%run_scoped3A_5, %dma_wait3A_77] : memref<2x3200xi32, #tpu.memory_space<vmem>> -> memref<1x3200xi32, #tpu.memory_space<vmem>>
      %dma_wait3A_79 = tpu.memref_squeeze %dma_wait3A_78 : memref<1x3200xi32, #tpu.memory_space<vmem>> -> memref<3200xi32, #tpu.memory_space<vmem>>
      %dma_wait3A_80 = tpu.memref_slice %arg2[%run_scoped3A, %add3A_4] : memref<26x102400xi32, #tpu.memory_space<hbm>> -> memref<1x3200xi32, #tpu.memory_space<hbm>>
      %dma_wait3A_81 = tpu.memref_squeeze %dma_wait3A_80 : memref<1x3200xi32, #tpu.memory_space<hbm>> -> memref<3200xi32, #tpu.memory_space<hbm>>
      tpu.wait_dma2 semaphore(%run_scoped3A_61 : memref<!tpu.dma_semaphore, #tpu.memory_space<semaphore_mem>>) src(%dma_wait3A_81 : memref<3200xi32, #tpu.memory_space<hbm>>) dst(%dma_wait3A_79 : memref<3200xi32, #tpu.memory_space<vmem>>)
      tpu.yield
    }) : () -> ()
    %dma_start3A = arith.constant 0 : i32
    %dma_start3A_6 = arith.constant 0 : i32
    %dma_start3A_7 = arith.constant 0 : i32
    %dma_start3A_8 = arith.constant 0 : i32
    %dma_start3A_9 = tpu.memref_slice %arg6[%dma_start3A_6, %dma_start3A_7, %dma_start3A_8] : memref<2x3200x16xf32, #tpu.memory_space<vmem>> -> memref<1x3200x16xf32, #tpu.memory_space<vmem>>
    %dma_start3A_10 = tpu.memref_squeeze %dma_start3A_9 : memref<1x3200x16xf32, #tpu.memory_space<vmem>> -> memref<3200x16xf32, #tpu.memory_space<vmem>>
    %dma_start3A_11 = arith.constant 0 : i32
    %dma_start3A_12 = tpu.memref_slice %arg5[%dma_start3A, %dma_start3A_11] : memref<2x3200xi32, #tpu.memory_space<vmem>> -> memref<1x3200xi32, #tpu.memory_space<vmem>>
    %dma_start3A_13 = tpu.memref_squeeze %dma_start3A_12 : memref<1x3200xi32, #tpu.memory_space<vmem>> -> memref<3200xi32, #tpu.memory_space<vmem>>
    %dma_start3A_14 = arith.constant 0 : i32
    %dma_start3A_15 = arith.constant 0 : i32
    %dma_start3A_16 = tpu.memref_slice %arg3[%dma_start3A_14, %dma_start3A_15] : memref<3276800x16xf32, #tpu.memory_space<hbm>> -> memref<3276800x16xf32, #tpu.memory_space<hbm>>
    tpu.enqueue_indirect_dma source(%dma_start3A_16 : memref<3276800x16xf32, #tpu.memory_space<hbm>>) target(%dma_start3A_10 : memref<3200x16xf32, #tpu.memory_space<vmem>>) offsets(%dma_start3A_13 : memref<3200xi32, #tpu.memory_space<vmem>>) semaphore(%arg7 : memref<!tpu.dma_semaphore, #tpu.memory_space<semaphore_mem>>)
    %add3A_17 = arith.constant 0 : i32
    %add3A_18 = arith.addi %mul3A_2, %add3A_17 : i32
    %run_scoped3A_19 = arith.constant 1 : i32
    %run_scoped3A_20 = arith.constant 1 : i32
    "tpu.region"() ({
      %run_scoped3A_61 = tpu.sem_alloc : memref<!tpu.dma_semaphore, #tpu.memory_space<semaphore_mem>>
      %dma_start3A_62 = arith.constant 0 : i32
      %dma_start3A_63 = tpu.memref_slice %arg5[%run_scoped3A_20, %dma_start3A_62] : memref<2x3200xi32, #tpu.memory_space<vmem>> -> memref<1x3200xi32, #tpu.memory_space<vmem>>
      %dma_start3A_64 = tpu.memref_squeeze %dma_start3A_63 : memref<1x3200xi32, #tpu.memory_space<vmem>> -> memref<3200xi32, #tpu.memory_space<vmem>>
      %dma_start3A_65 = tpu.memref_slice %arg2[%run_scoped3A_19, %add3A_18] : memref<26x102400xi32, #tpu.memory_space<hbm>> -> memref<1x3200xi32, #tpu.memory_space<hbm>>
      %dma_start3A_66 = tpu.memref_squeeze %dma_start3A_65 : memref<1x3200xi32, #tpu.memory_space<hbm>> -> memref<3200xi32, #tpu.memory_space<hbm>>
      %dma_start3A_67 = arith.constant 0 : i32
      %dma_start3A_68 = tpu.memref_slice %arg5[%run_scoped3A_20, %dma_start3A_67] : memref<2x3200xi32, #tpu.memory_space<vmem>> -> memref<1x3200xi32, #tpu.memory_space<vmem>>
      %dma_start3A_69 = tpu.memref_squeeze %dma_start3A_68 : memref<1x3200xi32, #tpu.memory_space<vmem>> -> memref<3200xi32, #tpu.memory_space<vmem>>
      %dma_start3A_70 = tpu.memref_slice %arg2[%run_scoped3A_19, %add3A_18] : memref<26x102400xi32, #tpu.memory_space<hbm>> -> memref<1x3200xi32, #tpu.memory_space<hbm>>
      %dma_start3A_71 = tpu.memref_squeeze %dma_start3A_70 : memref<1x3200xi32, #tpu.memory_space<hbm>> -> memref<3200xi32, #tpu.memory_space<hbm>>
      tpu.enqueue_dma source(%dma_start3A_71 : memref<3200xi32, #tpu.memory_space<hbm>>) target(%dma_start3A_69 : memref<3200xi32, #tpu.memory_space<vmem>>) target_semaphore(%run_scoped3A_61 : memref<!tpu.dma_semaphore, #tpu.memory_space<semaphore_mem>>)
      %dma_wait3A_72 = arith.constant 0 : i32
      %dma_wait3A_73 = tpu.memref_slice %arg5[%run_scoped3A_20, %dma_wait3A_72] : memref<2x3200xi32, #tpu.memory_space<vmem>> -> memref<1x3200xi32, #tpu.memory_space<vmem>>
      %dma_wait3A_74 = tpu.memref_squeeze %dma_wait3A_73 : memref<1x3200xi32, #tpu.memory_space<vmem>> -> memref<3200xi32, #tpu.memory_space<vmem>>
      %dma_wait3A_75 = tpu.memref_slice %arg2[%run_scoped3A_19, %add3A_18] : memref<26x102400xi32, #tpu.memory_space<hbm>> -> memref<1x3200xi32, #tpu.memory_space<hbm>>
      %dma_wait3A_76 = tpu.memref_squeeze %dma_wait3A_75 : memref<1x3200xi32, #tpu.memory_space<hbm>> -> memref<3200xi32, #tpu.memory_space<hbm>>
      %dma_wait3A_77 = arith.constant 0 : i32
      %dma_wait3A_78 = tpu.memref_slice %arg5[%run_scoped3A_20, %dma_wait3A_77] : memref<2x3200xi32, #tpu.memory_space<vmem>> -> memref<1x3200xi32, #tpu.memory_space<vmem>>
      %dma_wait3A_79 = tpu.memref_squeeze %dma_wait3A_78 : memref<1x3200xi32, #tpu.memory_space<vmem>> -> memref<3200xi32, #tpu.memory_space<vmem>>
      %dma_wait3A_80 = tpu.memref_slice %arg2[%run_scoped3A_19, %add3A_18] : memref<26x102400xi32, #tpu.memory_space<hbm>> -> memref<1x3200xi32, #tpu.memory_space<hbm>>
      %dma_wait3A_81 = tpu.memref_squeeze %dma_wait3A_80 : memref<1x3200xi32, #tpu.memory_space<hbm>> -> memref<3200xi32, #tpu.memory_space<hbm>>
      tpu.wait_dma2 semaphore(%run_scoped3A_61 : memref<!tpu.dma_semaphore, #tpu.memory_space<semaphore_mem>>) src(%dma_wait3A_81 : memref<3200xi32, #tpu.memory_space<hbm>>) dst(%dma_wait3A_79 : memref<3200xi32, #tpu.memory_space<vmem>>)
      tpu.yield
    }) : () -> ()
    %scan3A = arith.constant 0 : i32
    %scan3A_21 = arith.constant 0 : i32
    %scan3A_22 = arith.constant 26 : i32
    %scan3A_23 = arith.addi %scan3A_21, %scan3A_22 : i32
    %scan3A_24 = arith.constant 1 : i32
    scf.for %scan3A_61 = %scan3A_21 to %scan3A_23 step %scan3A_24  : i32 {
      %jit3A = arith.constant 2 : i32
      %eq3A = arith.constant 0 : i32
      %eq3A_62 = arith.cmpi eq, %jit3A, %eq3A : i32
      %jit3A_63 = arith.constant 1 : i32
      %select_n3A = arith.select %eq3A_62, %jit3A_63, %jit3A : i32
      %rem3A = arith.remsi %scan3A_61, %select_n3A : i32
      %ne3A = arith.constant 0 : i32
      %ne3A_64 = arith.cmpi ne, %rem3A, %ne3A : i32
      %lt3A = arith.constant 0 : i32
      %lt3A_65 = arith.cmpi slt, %rem3A, %lt3A : i32
      %lt3A_66 = arith.constant 0 : i32
      %lt3A_67 = arith.cmpi slt, %select_n3A, %lt3A_66 : i32
      %ne3A_68 = arith.xori %lt3A_65, %lt3A_67 : i1
      %and3A = arith.andi %ne3A_68, %ne3A_64 : i1
      %add3A_69 = arith.addi %rem3A, %select_n3A : i32
      %select_n3A_70 = arith.select %and3A, %add3A_69, %rem3A : i32
      %jit3A_71 = arith.constant 2 : i32
      %eq3A_72 = arith.constant 0 : i32
      %eq3A_73 = arith.cmpi eq, %jit3A_71, %eq3A_72 : i32
      %jit3A_74 = arith.constant 1 : i32
      %select_n3A_75 = arith.select %eq3A_73, %jit3A_74, %jit3A_71 : i32
      %rem3A_76 = arith.remsi %scan3A_61, %select_n3A_75 : i32
      %ne3A_77 = arith.constant 0 : i32
      %ne3A_78 = arith.cmpi ne, %rem3A_76, %ne3A_77 : i32
      %lt3A_79 = arith.constant 0 : i32
      %lt3A_80 = arith.cmpi slt, %rem3A_76, %lt3A_79 : i32
      %lt3A_81 = arith.constant 0 : i32
      %lt3A_82 = arith.cmpi slt, %select_n3A_75, %lt3A_81 : i32
      %ne3A_83 = arith.xori %lt3A_80, %lt3A_82 : i1
      %and3A_84 = arith.andi %ne3A_83, %ne3A_78 : i1
      %add3A_85 = arith.addi %rem3A_76, %select_n3A_75 : i32
      %select_n3A_86 = arith.select %and3A_84, %add3A_85, %rem3A_76 : i32
      %dma_wait3A_87 = arith.constant 0 : i32
      %dma_wait3A_88 = arith.constant 0 : i32
      %dma_wait3A_89 = tpu.memref_slice %arg6[%select_n3A_86, %dma_wait3A_87, %dma_wait3A_88] : memref<2x3200x16xf32, #tpu.memory_space<vmem>> -> memref<1x3200x16xf32, #tpu.memory_space<vmem>>
      %dma_wait3A_90 = tpu.memref_squeeze %dma_wait3A_89 : memref<1x3200x16xf32, #tpu.memory_space<vmem>> -> memref<3200x16xf32, #tpu.memory_space<vmem>>
      %dma_wait3A_91 = arith.constant 0 : i32
      %dma_wait3A_92 = tpu.memref_slice %arg5[%select_n3A_70, %dma_wait3A_91] : memref<2x3200xi32, #tpu.memory_space<vmem>> -> memref<1x3200xi32, #tpu.memory_space<vmem>>
      %dma_wait3A_93 = tpu.memref_squeeze %dma_wait3A_92 : memref<1x3200xi32, #tpu.memory_space<vmem>> -> memref<3200xi32, #tpu.memory_space<vmem>>
      %dma_wait3A_94 = arith.constant 0 : i32
      %dma_wait3A_95 = arith.constant 0 : i32
      %dma_wait3A_96 = tpu.memref_slice %arg3[%dma_wait3A_94, %dma_wait3A_95] : memref<3276800x16xf32, #tpu.memory_space<hbm>> -> memref<3276800x16xf32, #tpu.memory_space<hbm>>
      tpu.wait_indirect_dma semaphore(%arg7 : memref<!tpu.dma_semaphore, #tpu.memory_space<semaphore_mem>>) src(%dma_wait3A_96 : memref<3276800x16xf32, #tpu.memory_space<hbm>>) dst(%dma_wait3A_90 : memref<3200x16xf32, #tpu.memory_space<vmem>>)
      %jit3A_97 = arith.constant 2 : i32
      %eq3A_98 = arith.constant 0 : i32
      %eq3A_99 = arith.cmpi eq, %jit3A_97, %eq3A_98 : i32
      %jit3A_100 = arith.constant 1 : i32
      %select_n3A_101 = arith.select %eq3A_99, %jit3A_100, %jit3A_97 : i32
      %rem3A_102 = arith.remsi %scan3A_61, %select_n3A_101 : i32
      %ne3A_103 = arith.constant 0 : i32
      %ne3A_104 = arith.cmpi ne, %rem3A_102, %ne3A_103 : i32
      %lt3A_105 = arith.constant 0 : i32
      %lt3A_106 = arith.cmpi slt, %rem3A_102, %lt3A_105 : i32
      %lt3A_107 = arith.constant 0 : i32
      %lt3A_108 = arith.cmpi slt, %select_n3A_101, %lt3A_107 : i32
      %ne3A_109 = arith.xori %lt3A_106, %lt3A_108 : i1
      %and3A_110 = arith.andi %ne3A_109, %ne3A_104 : i1
      %add3A_111 = arith.addi %rem3A_102, %select_n3A_101 : i32
      %select_n3A_112 = arith.select %and3A_110, %add3A_111, %rem3A_102 : i32
      %jit3A_113 = arith.constant 1 : i32
      %div3A = arith.divsi %scan3A_61, %jit3A_113 : i32
      %sign3A = arith.constant 0 : i32
      %sign3A_114 = arith.cmpi sgt, %scan3A_61, %sign3A : i32
      %sign3A_115 = arith.extui %sign3A_114 : i1 to i32
      %sign3A_116 = arith.constant 0 : i32
      %sign3A_117 = arith.cmpi slt, %scan3A_61, %sign3A_116 : i32
      %sign3A_118 = arith.extui %sign3A_117 : i1 to i32
      %sign3A_119 = arith.subi %sign3A_115, %sign3A_118 : i32
      %sign3A_120 = arith.constant 0 : i32
      %sign3A_121 = arith.cmpi sgt, %jit3A_113, %sign3A_120 : i32
      %sign3A_122 = arith.extui %sign3A_121 : i1 to i32
      %sign3A_123 = arith.constant 0 : i32
      %sign3A_124 = arith.cmpi slt, %jit3A_113, %sign3A_123 : i32
      %sign3A_125 = arith.extui %sign3A_124 : i1 to i32
      %sign3A_126 = arith.subi %sign3A_122, %sign3A_125 : i32
      %ne3A_127 = arith.cmpi ne, %sign3A_119, %sign3A_126 : i32
      %rem3A_128 = arith.remsi %scan3A_61, %jit3A_113 : i32
      %ne3A_129 = arith.constant 0 : i32
      %ne3A_130 = arith.cmpi ne, %rem3A_128, %ne3A_129 : i32
      %and3A_131 = arith.andi %ne3A_127, %ne3A_130 : i1
      %sub3A = arith.constant 1 : i32
      %sub3A_132 = arith.subi %div3A, %sub3A : i32
      %select_n3A_133 = arith.select %and3A_131, %sub3A_132, %div3A : i32
      %jit3A_134 = arith.constant 1 : i32
      %eq3A_135 = arith.constant 0 : i32
      %eq3A_136 = arith.cmpi eq, %jit3A_134, %eq3A_135 : i32
      %jit3A_137 = arith.constant 1 : i32
      %select_n3A_138 = arith.select %eq3A_136, %jit3A_137, %jit3A_134 : i32
      %rem3A_139 = arith.remsi %scan3A_61, %select_n3A_138 : i32
      %ne3A_140 = arith.constant 0 : i32
      %ne3A_141 = arith.cmpi ne, %rem3A_139, %ne3A_140 : i32
      %lt3A_142 = arith.constant 0 : i32
      %lt3A_143 = arith.cmpi slt, %rem3A_139, %lt3A_142 : i32
      %lt3A_144 = arith.constant 0 : i32
      %lt3A_145 = arith.cmpi slt, %select_n3A_138, %lt3A_144 : i32
      %ne3A_146 = arith.xori %lt3A_143, %lt3A_145 : i1
      %and3A_147 = arith.andi %ne3A_146, %ne3A_141 : i1
      %add3A_148 = arith.addi %rem3A_139, %select_n3A_138 : i32
      %select_n3A_149 = arith.select %and3A_147, %add3A_148, %rem3A_139 : i32
      %mul3A_150 = arith.constant 3200 : i32
      %mul3A_151 = arith.muli %select_n3A_149, %mul3A_150 : i32
      %add3A_152 = arith.addi %mul3A_2, %mul3A_151 : i32
      %jit3A_153 = arith.constant 8 : i32
      %div3A_154 = arith.divsi %select_n3A_133, %jit3A_153 : i32
      %sign3A_155 = arith.constant 0 : i32
      %sign3A_156 = arith.cmpi sgt, %select_n3A_133, %sign3A_155 : i32
      %sign3A_157 = arith.extui %sign3A_156 : i1 to i32
      %sign3A_158 = arith.constant 0 : i32
      %sign3A_159 = arith.cmpi slt, %select_n3A_133, %sign3A_158 : i32
      %sign3A_160 = arith.extui %sign3A_159 : i1 to i32
      %sign3A_161 = arith.subi %sign3A_157, %sign3A_160 : i32
      %sign3A_162 = arith.constant 0 : i32
      %sign3A_163 = arith.cmpi sgt, %jit3A_153, %sign3A_162 : i32
      %sign3A_164 = arith.extui %sign3A_163 : i1 to i32
      %sign3A_165 = arith.constant 0 : i32
      %sign3A_166 = arith.cmpi slt, %jit3A_153, %sign3A_165 : i32
      %sign3A_167 = arith.extui %sign3A_166 : i1 to i32
      %sign3A_168 = arith.subi %sign3A_164, %sign3A_167 : i32
      %ne3A_169 = arith.cmpi ne, %sign3A_161, %sign3A_168 : i32
      %rem3A_170 = arith.remsi %select_n3A_133, %jit3A_153 : i32
      %ne3A_171 = arith.constant 0 : i32
      %ne3A_172 = arith.cmpi ne, %rem3A_170, %ne3A_171 : i32
      %and3A_173 = arith.andi %ne3A_169, %ne3A_172 : i1
      %sub3A_174 = arith.constant 1 : i32
      %sub3A_175 = arith.subi %div3A_154, %sub3A_174 : i32
      %select_n3A_176 = arith.select %and3A_173, %sub3A_175, %div3A_154 : i32
      %jit3A_177 = arith.constant 8 : i32
      %eq3A_178 = arith.constant 0 : i32
      %eq3A_179 = arith.cmpi eq, %jit3A_177, %eq3A_178 : i32
      %jit3A_180 = arith.constant 1 : i32
      %select_n3A_181 = arith.select %eq3A_179, %jit3A_180, %jit3A_177 : i32
      %rem3A_182 = arith.remsi %select_n3A_133, %select_n3A_181 : i32
      %ne3A_183 = arith.constant 0 : i32
      %ne3A_184 = arith.cmpi ne, %rem3A_182, %ne3A_183 : i32
      %lt3A_185 = arith.constant 0 : i32
      %lt3A_186 = arith.cmpi slt, %rem3A_182, %lt3A_185 : i32
      %lt3A_187 = arith.constant 0 : i32
      %lt3A_188 = arith.cmpi slt, %select_n3A_181, %lt3A_187 : i32
      %ne3A_189 = arith.xori %lt3A_186, %lt3A_188 : i1
      %and3A_190 = arith.andi %ne3A_189, %ne3A_184 : i1
      %add3A_191 = arith.addi %rem3A_182, %select_n3A_181 : i32
      %select_n3A_192 = arith.select %and3A_190, %add3A_191, %rem3A_182 : i32
      %mul3A_193 = arith.constant 16 : i32
      %mul3A_194 = arith.muli %select_n3A_192, %mul3A_193 : i32
      %dma_start3A_195 = arith.constant 0 : i32
      %dma_start3A_196 = arith.constant 0 : i32
      %dma_start3A_197 = tpu.memref_slice %arg6[%select_n3A_112, %dma_start3A_195, %dma_start3A_196] : memref<2x3200x16xf32, #tpu.memory_space<vmem>> -> memref<1x3200x16xf32, #tpu.memory_space<vmem>>
      %dma_start3A_198 = tpu.memref_squeeze %dma_start3A_197 : memref<1x3200x16xf32, #tpu.memory_space<vmem>> -> memref<3200x16xf32, #tpu.memory_space<vmem>>
      %dma_start3A_199 = tpu.memref_slice %arg4[%select_n3A_176, %add3A_152, %mul3A_194] : memref<4x102400x128xf32, #tpu.memory_space<hbm>> -> memref<1x3200x16xf32, #tpu.memory_space<hbm>>
      %dma_start3A_200 = tpu.memref_squeeze %dma_start3A_199 : memref<1x3200x16xf32, #tpu.memory_space<hbm>> -> memref<3200x16xf32, #tpu.memory_space<hbm>>
      %dma_start3A_201 = tpu.memref_slice %arg4[%select_n3A_176, %add3A_152, %mul3A_194] : memref<4x102400x128xf32, #tpu.memory_space<hbm>> -> memref<1x3200x16xf32, #tpu.memory_space<hbm>>
      %dma_start3A_202 = tpu.memref_squeeze %dma_start3A_201 : memref<1x3200x16xf32, #tpu.memory_space<hbm>> -> memref<3200x16xf32, #tpu.memory_space<hbm>>
      %dma_start3A_203 = arith.constant 0 : i32
      %dma_start3A_204 = arith.constant 0 : i32
      %dma_start3A_205 = tpu.memref_slice %arg6[%select_n3A_112, %dma_start3A_203, %dma_start3A_204] : memref<2x3200x16xf32, #tpu.memory_space<vmem>> -> memref<1x3200x16xf32, #tpu.memory_space<vmem>>
      %dma_start3A_206 = tpu.memref_squeeze %dma_start3A_205 : memref<1x3200x16xf32, #tpu.memory_space<vmem>> -> memref<3200x16xf32, #tpu.memory_space<vmem>>
      tpu.enqueue_dma source(%dma_start3A_206 : memref<3200x16xf32, #tpu.memory_space<vmem>>) target(%dma_start3A_202 : memref<3200x16xf32, #tpu.memory_space<hbm>>) target_semaphore(%arg8 : memref<!tpu.dma_semaphore, #tpu.memory_space<semaphore_mem>>)
      %add3A_207 = arith.constant 2 : i32
      %add3A_208 = arith.addi %scan3A_61, %add3A_207 : i32
      %lt3A_209 = arith.constant 26 : i32
      %lt3A_210 = arith.cmpi slt, %add3A_208, %lt3A_209 : i32
      %convert_element_type3A = arith.extui %lt3A_210 : i1 to i32
      %cond3A = arith.constant 0 : i32
      %cond3A_211 = arith.cmpi ne, %convert_element_type3A, %cond3A : i32
      scf.if %cond3A_211 {
        %add3A_219 = arith.constant 2 : i32
        %add3A_220 = arith.addi %scan3A_61, %add3A_219 : i32
        %jit3A_221 = arith.constant 1 : i32
        %div3A_222 = arith.divsi %add3A_220, %jit3A_221 : i32
        %sign3A_223 = arith.constant 0 : i32
        %sign3A_224 = arith.cmpi sgt, %add3A_220, %sign3A_223 : i32
        %sign3A_225 = arith.extui %sign3A_224 : i1 to i32
        %sign3A_226 = arith.constant 0 : i32
        %sign3A_227 = arith.cmpi slt, %add3A_220, %sign3A_226 : i32
        %sign3A_228 = arith.extui %sign3A_227 : i1 to i32
        %sign3A_229 = arith.subi %sign3A_225, %sign3A_228 : i32
        %sign3A_230 = arith.constant 0 : i32
        %sign3A_231 = arith.cmpi sgt, %jit3A_221, %sign3A_230 : i32
        %sign3A_232 = arith.extui %sign3A_231 : i1 to i32
        %sign3A_233 = arith.constant 0 : i32
        %sign3A_234 = arith.cmpi slt, %jit3A_221, %sign3A_233 : i32
        %sign3A_235 = arith.extui %sign3A_234 : i1 to i32
        %sign3A_236 = arith.subi %sign3A_232, %sign3A_235 : i32
        %ne3A_237 = arith.cmpi ne, %sign3A_229, %sign3A_236 : i32
        %rem3A_238 = arith.remsi %add3A_220, %jit3A_221 : i32
        %ne3A_239 = arith.constant 0 : i32
        %ne3A_240 = arith.cmpi ne, %rem3A_238, %ne3A_239 : i32
        %and3A_241 = arith.andi %ne3A_237, %ne3A_240 : i1
        %sub3A_242 = arith.constant 1 : i32
        %sub3A_243 = arith.subi %div3A_222, %sub3A_242 : i32
        %select_n3A_244 = arith.select %and3A_241, %sub3A_243, %div3A_222 : i32
        %jit3A_245 = arith.constant 1 : i32
        %eq3A_246 = arith.constant 0 : i32
        %eq3A_247 = arith.cmpi eq, %jit3A_245, %eq3A_246 : i32
        %jit3A_248 = arith.constant 1 : i32
        %select_n3A_249 = arith.select %eq3A_247, %jit3A_248, %jit3A_245 : i32
        %rem3A_250 = arith.remsi %add3A_220, %select_n3A_249 : i32
        %ne3A_251 = arith.constant 0 : i32
        %ne3A_252 = arith.cmpi ne, %rem3A_250, %ne3A_251 : i32
        %lt3A_253 = arith.constant 0 : i32
        %lt3A_254 = arith.cmpi slt, %rem3A_250, %lt3A_253 : i32
        %lt3A_255 = arith.constant 0 : i32
        %lt3A_256 = arith.cmpi slt, %select_n3A_249, %lt3A_255 : i32
        %ne3A_257 = arith.xori %lt3A_254, %lt3A_256 : i1
        %and3A_258 = arith.andi %ne3A_257, %ne3A_252 : i1
        %add3A_259 = arith.addi %rem3A_250, %select_n3A_249 : i32
        %select_n3A_260 = arith.select %and3A_258, %add3A_259, %rem3A_250 : i32
        %mul3A_261 = arith.constant 3200 : i32
        %mul3A_262 = arith.muli %select_n3A_260, %mul3A_261 : i32
        %add3A_263 = arith.addi %mul3A_2, %mul3A_262 : i32
        %jit3A_264 = arith.constant 2 : i32
        %eq3A_265 = arith.constant 0 : i32
        %eq3A_266 = arith.cmpi eq, %jit3A_264, %eq3A_265 : i32
        %jit3A_267 = arith.constant 1 : i32
        %select_n3A_268 = arith.select %eq3A_266, %jit3A_267, %jit3A_264 : i32
        %rem3A_269 = arith.remsi %add3A_220, %select_n3A_268 : i32
        %ne3A_270 = arith.constant 0 : i32
        %ne3A_271 = arith.cmpi ne, %rem3A_269, %ne3A_270 : i32
        %lt3A_272 = arith.constant 0 : i32
        %lt3A_273 = arith.cmpi slt, %rem3A_269, %lt3A_272 : i32
        %lt3A_274 = arith.constant 0 : i32
        %lt3A_275 = arith.cmpi slt, %select_n3A_268, %lt3A_274 : i32
        %ne3A_276 = arith.xori %lt3A_273, %lt3A_275 : i1
        %and3A_277 = arith.andi %ne3A_276, %ne3A_271 : i1
        %add3A_278 = arith.addi %rem3A_269, %select_n3A_268 : i32
        %select_n3A_279 = arith.select %and3A_277, %add3A_278, %rem3A_269 : i32
        "tpu.region"() ({
          %run_scoped3A_280 = tpu.sem_alloc : memref<!tpu.dma_semaphore, #tpu.memory_space<semaphore_mem>>
          %dma_start3A_281 = arith.constant 0 : i32
          %dma_start3A_282 = tpu.memref_slice %arg5[%select_n3A_279, %dma_start3A_281] : memref<2x3200xi32, #tpu.memory_space<vmem>> -> memref<1x3200xi32, #tpu.memory_space<vmem>>
          %dma_start3A_283 = tpu.memref_squeeze %dma_start3A_282 : memref<1x3200xi32, #tpu.memory_space<vmem>> -> memref<3200xi32, #tpu.memory_space<vmem>>
          %dma_start3A_284 = tpu.memref_slice %arg2[%select_n3A_244, %add3A_263] : memref<26x102400xi32, #tpu.memory_space<hbm>> -> memref<1x3200xi32, #tpu.memory_space<hbm>>
          %dma_start3A_285 = tpu.memref_squeeze %dma_start3A_284 : memref<1x3200xi32, #tpu.memory_space<hbm>> -> memref<3200xi32, #tpu.memory_space<hbm>>
          %dma_start3A_286 = arith.constant 0 : i32
          %dma_start3A_287 = tpu.memref_slice %arg5[%select_n3A_279, %dma_start3A_286] : memref<2x3200xi32, #tpu.memory_space<vmem>> -> memref<1x3200xi32, #tpu.memory_space<vmem>>
          %dma_start3A_288 = tpu.memref_squeeze %dma_start3A_287 : memref<1x3200xi32, #tpu.memory_space<vmem>> -> memref<3200xi32, #tpu.memory_space<vmem>>
          %dma_start3A_289 = tpu.memref_slice %arg2[%select_n3A_244, %add3A_263] : memref<26x102400xi32, #tpu.memory_space<hbm>> -> memref<1x3200xi32, #tpu.memory_space<hbm>>
          %dma_start3A_290 = tpu.memref_squeeze %dma_start3A_289 : memref<1x3200xi32, #tpu.memory_space<hbm>> -> memref<3200xi32, #tpu.memory_space<hbm>>
          tpu.enqueue_dma source(%dma_start3A_290 : memref<3200xi32, #tpu.memory_space<hbm>>) target(%dma_start3A_288 : memref<3200xi32, #tpu.memory_space<vmem>>) target_semaphore(%run_scoped3A_280 : memref<!tpu.dma_semaphore, #tpu.memory_space<semaphore_mem>>)
          %dma_wait3A_291 = arith.constant 0 : i32
          %dma_wait3A_292 = tpu.memref_slice %arg5[%select_n3A_279, %dma_wait3A_291] : memref<2x3200xi32, #tpu.memory_space<vmem>> -> memref<1x3200xi32, #tpu.memory_space<vmem>>
          %dma_wait3A_293 = tpu.memref_squeeze %dma_wait3A_292 : memref<1x3200xi32, #tpu.memory_space<vmem>> -> memref<3200xi32, #tpu.memory_space<vmem>>
          %dma_wait3A_294 = tpu.memref_slice %arg2[%select_n3A_244, %add3A_263] : memref<26x102400xi32, #tpu.memory_space<hbm>> -> memref<1x3200xi32, #tpu.memory_space<hbm>>
          %dma_wait3A_295 = tpu.memref_squeeze %dma_wait3A_294 : memref<1x3200xi32, #tpu.memory_space<hbm>> -> memref<3200xi32, #tpu.memory_space<hbm>>
          %dma_wait3A_296 = arith.constant 0 : i32
          %dma_wait3A_297 = tpu.memref_slice %arg5[%select_n3A_279, %dma_wait3A_296] : memref<2x3200xi32, #tpu.memory_space<vmem>> -> memref<1x3200xi32, #tpu.memory_space<vmem>>
          %dma_wait3A_298 = tpu.memref_squeeze %dma_wait3A_297 : memref<1x3200xi32, #tpu.memory_space<vmem>> -> memref<3200xi32, #tpu.memory_space<vmem>>
          %dma_wait3A_299 = tpu.memref_slice %arg2[%select_n3A_244, %add3A_263] : memref<26x102400xi32, #tpu.memory_space<hbm>> -> memref<1x3200xi32, #tpu.memory_space<hbm>>
          %dma_wait3A_300 = tpu.memref_squeeze %dma_wait3A_299 : memref<1x3200xi32, #tpu.memory_space<hbm>> -> memref<3200xi32, #tpu.memory_space<hbm>>
          tpu.wait_dma2 semaphore(%run_scoped3A_280 : memref<!tpu.dma_semaphore, #tpu.memory_space<semaphore_mem>>) src(%dma_wait3A_300 : memref<3200xi32, #tpu.memory_space<hbm>>) dst(%dma_wait3A_298 : memref<3200xi32, #tpu.memory_space<vmem>>)
          tpu.yield
        }) : () -> ()
      } else {
      }
      %add3A_212 = arith.constant 1 : i32
      %add3A_213 = arith.addi %scan3A_61, %add3A_212 : i32
      %lt3A_214 = arith.constant 26 : i32
      %lt3A_215 = arith.cmpi slt, %add3A_213, %lt3A_214 : i32
      %convert_element_type3A_216 = arith.extui %lt3A_215 : i1 to i32
      %cond3A_217 = arith.constant 0 : i32
      %cond3A_218 = arith.cmpi ne, %convert_element_type3A_216, %cond3A_217 : i32
      scf.if %cond3A_218 {
        %ge3A = arith.constant 1 : i32
        %ge3A_219 = arith.cmpi sge, %scan3A_61, %ge3A : i32
        %convert_element_type3A_220 = arith.extui %ge3A_219 : i1 to i32
        %cond3A_221 = arith.constant 0 : i32
        %cond3A_222 = arith.cmpi ne, %convert_element_type3A_220, %cond3A_221 : i32
        scf.if %cond3A_222 {
          %sub3A_267 = arith.constant 1 : i32
          %sub3A_268 = arith.subi %scan3A_61, %sub3A_267 : i32
          %jit3A_269 = arith.constant 2 : i32
          %eq3A_270 = arith.constant 0 : i32
          %eq3A_271 = arith.cmpi eq, %jit3A_269, %eq3A_270 : i32
          %jit3A_272 = arith.constant 1 : i32
          %select_n3A_273 = arith.select %eq3A_271, %jit3A_272, %jit3A_269 : i32
          %rem3A_274 = arith.remsi %sub3A_268, %select_n3A_273 : i32
          %ne3A_275 = arith.constant 0 : i32
          %ne3A_276 = arith.cmpi ne, %rem3A_274, %ne3A_275 : i32
          %lt3A_277 = arith.constant 0 : i32
          %lt3A_278 = arith.cmpi slt, %rem3A_274, %lt3A_277 : i32
          %lt3A_279 = arith.constant 0 : i32
          %lt3A_280 = arith.cmpi slt, %select_n3A_273, %lt3A_279 : i32
          %ne3A_281 = arith.xori %lt3A_278, %lt3A_280 : i1
          %and3A_282 = arith.andi %ne3A_281, %ne3A_276 : i1
          %add3A_283 = arith.addi %rem3A_274, %select_n3A_273 : i32
          %select_n3A_284 = arith.select %and3A_282, %add3A_283, %rem3A_274 : i32
          %jit3A_285 = arith.constant 1 : i32
          %div3A_286 = arith.divsi %sub3A_268, %jit3A_285 : i32
          %sign3A_287 = arith.constant 0 : i32
          %sign3A_288 = arith.cmpi sgt, %sub3A_268, %sign3A_287 : i32
          %sign3A_289 = arith.extui %sign3A_288 : i1 to i32
          %sign3A_290 = arith.constant 0 : i32
          %sign3A_291 = arith.cmpi slt, %sub3A_268, %sign3A_290 : i32
          %sign3A_292 = arith.extui %sign3A_291 : i1 to i32
          %sign3A_293 = arith.subi %sign3A_289, %sign3A_292 : i32
          %sign3A_294 = arith.constant 0 : i32
          %sign3A_295 = arith.cmpi sgt, %jit3A_285, %sign3A_294 : i32
          %sign3A_296 = arith.extui %sign3A_295 : i1 to i32
          %sign3A_297 = arith.constant 0 : i32
          %sign3A_298 = arith.cmpi slt, %jit3A_285, %sign3A_297 : i32
          %sign3A_299 = arith.extui %sign3A_298 : i1 to i32
          %sign3A_300 = arith.subi %sign3A_296, %sign3A_299 : i32
          %ne3A_301 = arith.cmpi ne, %sign3A_293, %sign3A_300 : i32
          %rem3A_302 = arith.remsi %sub3A_268, %jit3A_285 : i32
          %ne3A_303 = arith.constant 0 : i32
          %ne3A_304 = arith.cmpi ne, %rem3A_302, %ne3A_303 : i32
          %and3A_305 = arith.andi %ne3A_301, %ne3A_304 : i1
          %sub3A_306 = arith.constant 1 : i32
          %sub3A_307 = arith.subi %div3A_286, %sub3A_306 : i32
          %select_n3A_308 = arith.select %and3A_305, %sub3A_307, %div3A_286 : i32
          %jit3A_309 = arith.constant 1 : i32
          %eq3A_310 = arith.constant 0 : i32
          %eq3A_311 = arith.cmpi eq, %jit3A_309, %eq3A_310 : i32
          %jit3A_312 = arith.constant 1 : i32
          %select_n3A_313 = arith.select %eq3A_311, %jit3A_312, %jit3A_309 : i32
          %rem3A_314 = arith.remsi %sub3A_268, %select_n3A_313 : i32
          %ne3A_315 = arith.constant 0 : i32
          %ne3A_316 = arith.cmpi ne, %rem3A_314, %ne3A_315 : i32
          %lt3A_317 = arith.constant 0 : i32
          %lt3A_318 = arith.cmpi slt, %rem3A_314, %lt3A_317 : i32
          %lt3A_319 = arith.constant 0 : i32
          %lt3A_320 = arith.cmpi slt, %select_n3A_313, %lt3A_319 : i32
          %ne3A_321 = arith.xori %lt3A_318, %lt3A_320 : i1
          %and3A_322 = arith.andi %ne3A_321, %ne3A_316 : i1
          %add3A_323 = arith.addi %rem3A_314, %select_n3A_313 : i32
          %select_n3A_324 = arith.select %and3A_322, %add3A_323, %rem3A_314 : i32
          %mul3A_325 = arith.constant 3200 : i32
          %mul3A_326 = arith.muli %select_n3A_324, %mul3A_325 : i32
          %add3A_327 = arith.addi %mul3A_2, %mul3A_326 : i32
          %jit3A_328 = arith.constant 8 : i32
          %div3A_329 = arith.divsi %select_n3A_308, %jit3A_328 : i32
          %sign3A_330 = arith.constant 0 : i32
          %sign3A_331 = arith.cmpi sgt, %select_n3A_308, %sign3A_330 : i32
          %sign3A_332 = arith.extui %sign3A_331 : i1 to i32
          %sign3A_333 = arith.constant 0 : i32
          %sign3A_334 = arith.cmpi slt, %select_n3A_308, %sign3A_333 : i32
          %sign3A_335 = arith.extui %sign3A_334 : i1 to i32
          %sign3A_336 = arith.subi %sign3A_332, %sign3A_335 : i32
          %sign3A_337 = arith.constant 0 : i32
          %sign3A_338 = arith.cmpi sgt, %jit3A_328, %sign3A_337 : i32
          %sign3A_339 = arith.extui %sign3A_338 : i1 to i32
          %sign3A_340 = arith.constant 0 : i32
          %sign3A_341 = arith.cmpi slt, %jit3A_328, %sign3A_340 : i32
          %sign3A_342 = arith.extui %sign3A_341 : i1 to i32
          %sign3A_343 = arith.subi %sign3A_339, %sign3A_342 : i32
          %ne3A_344 = arith.cmpi ne, %sign3A_336, %sign3A_343 : i32
          %rem3A_345 = arith.remsi %select_n3A_308, %jit3A_328 : i32
          %ne3A_346 = arith.constant 0 : i32
          %ne3A_347 = arith.cmpi ne, %rem3A_345, %ne3A_346 : i32
          %and3A_348 = arith.andi %ne3A_344, %ne3A_347 : i1
          %sub3A_349 = arith.constant 1 : i32
          %sub3A_350 = arith.subi %div3A_329, %sub3A_349 : i32
          %select_n3A_351 = arith.select %and3A_348, %sub3A_350, %div3A_329 : i32
          %jit3A_352 = arith.constant 8 : i32
          %eq3A_353 = arith.constant 0 : i32
          %eq3A_354 = arith.cmpi eq, %jit3A_352, %eq3A_353 : i32
          %jit3A_355 = arith.constant 1 : i32
          %select_n3A_356 = arith.select %eq3A_354, %jit3A_355, %jit3A_352 : i32
          %rem3A_357 = arith.remsi %select_n3A_308, %select_n3A_356 : i32
          %ne3A_358 = arith.constant 0 : i32
          %ne3A_359 = arith.cmpi ne, %rem3A_357, %ne3A_358 : i32
          %lt3A_360 = arith.constant 0 : i32
          %lt3A_361 = arith.cmpi slt, %rem3A_357, %lt3A_360 : i32
          %lt3A_362 = arith.constant 0 : i32
          %lt3A_363 = arith.cmpi slt, %select_n3A_356, %lt3A_362 : i32
          %ne3A_364 = arith.xori %lt3A_361, %lt3A_363 : i1
          %and3A_365 = arith.andi %ne3A_364, %ne3A_359 : i1
          %add3A_366 = arith.addi %rem3A_357, %select_n3A_356 : i32
          %select_n3A_367 = arith.select %and3A_365, %add3A_366, %rem3A_357 : i32
          %mul3A_368 = arith.constant 16 : i32
          %mul3A_369 = arith.muli %select_n3A_367, %mul3A_368 : i32
          %dma_wait3A_370 = arith.constant 0 : i32
          %dma_wait3A_371 = arith.constant 0 : i32
          %dma_wait3A_372 = tpu.memref_slice %arg6[%select_n3A_284, %dma_wait3A_370, %dma_wait3A_371] : memref<2x3200x16xf32, #tpu.memory_space<vmem>> -> memref<1x3200x16xf32, #tpu.memory_space<vmem>>
          %dma_wait3A_373 = tpu.memref_squeeze %dma_wait3A_372 : memref<1x3200x16xf32, #tpu.memory_space<vmem>> -> memref<3200x16xf32, #tpu.memory_space<vmem>>
          %dma_wait3A_374 = tpu.memref_slice %arg4[%select_n3A_351, %add3A_327, %mul3A_369] : memref<4x102400x128xf32, #tpu.memory_space<hbm>> -> memref<1x3200x16xf32, #tpu.memory_space<hbm>>
          %dma_wait3A_375 = tpu.memref_squeeze %dma_wait3A_374 : memref<1x3200x16xf32, #tpu.memory_space<hbm>> -> memref<3200x16xf32, #tpu.memory_space<hbm>>
          %dma_wait3A_376 = tpu.memref_slice %arg4[%select_n3A_351, %add3A_327, %mul3A_369] : memref<4x102400x128xf32, #tpu.memory_space<hbm>> -> memref<1x3200x16xf32, #tpu.memory_space<hbm>>
          %dma_wait3A_377 = tpu.memref_squeeze %dma_wait3A_376 : memref<1x3200x16xf32, #tpu.memory_space<hbm>> -> memref<3200x16xf32, #tpu.memory_space<hbm>>
          %dma_wait3A_378 = arith.constant 0 : i32
          %dma_wait3A_379 = arith.constant 0 : i32
          %dma_wait3A_380 = tpu.memref_slice %arg6[%select_n3A_284, %dma_wait3A_378, %dma_wait3A_379] : memref<2x3200x16xf32, #tpu.memory_space<vmem>> -> memref<1x3200x16xf32, #tpu.memory_space<vmem>>
          %dma_wait3A_381 = tpu.memref_squeeze %dma_wait3A_380 : memref<1x3200x16xf32, #tpu.memory_space<vmem>> -> memref<3200x16xf32, #tpu.memory_space<vmem>>
          tpu.wait_dma2 semaphore(%arg8 : memref<!tpu.dma_semaphore, #tpu.memory_space<semaphore_mem>>) src(%dma_wait3A_381 : memref<3200x16xf32, #tpu.memory_space<vmem>>) dst(%dma_wait3A_377 : memref<3200x16xf32, #tpu.memory_space<hbm>>)
        } else {
        }
        %add3A_223 = arith.constant 1 : i32
        %add3A_224 = arith.addi %scan3A_61, %add3A_223 : i32
        %jit3A_225 = arith.constant 2 : i32
        %eq3A_226 = arith.constant 0 : i32
        %eq3A_227 = arith.cmpi eq, %jit3A_225, %eq3A_226 : i32
        %jit3A_228 = arith.constant 1 : i32
        %select_n3A_229 = arith.select %eq3A_227, %jit3A_228, %jit3A_225 : i32
        %rem3A_230 = arith.remsi %add3A_224, %select_n3A_229 : i32
        %ne3A_231 = arith.constant 0 : i32
        %ne3A_232 = arith.cmpi ne, %rem3A_230, %ne3A_231 : i32
        %lt3A_233 = arith.constant 0 : i32
        %lt3A_234 = arith.cmpi slt, %rem3A_230, %lt3A_233 : i32
        %lt3A_235 = arith.constant 0 : i32
        %lt3A_236 = arith.cmpi slt, %select_n3A_229, %lt3A_235 : i32
        %ne3A_237 = arith.xori %lt3A_234, %lt3A_236 : i1
        %and3A_238 = arith.andi %ne3A_237, %ne3A_232 : i1
        %add3A_239 = arith.addi %rem3A_230, %select_n3A_229 : i32
        %select_n3A_240 = arith.select %and3A_238, %add3A_239, %rem3A_230 : i32
        %jit3A_241 = arith.constant 2 : i32
        %eq3A_242 = arith.constant 0 : i32
        %eq3A_243 = arith.cmpi eq, %jit3A_241, %eq3A_242 : i32
        %jit3A_244 = arith.constant 1 : i32
        %select_n3A_245 = arith.select %eq3A_243, %jit3A_244, %jit3A_241 : i32
        %rem3A_246 = arith.remsi %add3A_224, %select_n3A_245 : i32
        %ne3A_247 = arith.constant 0 : i32
        %ne3A_248 = arith.cmpi ne, %rem3A_246, %ne3A_247 : i32
        %lt3A_249 = arith.constant 0 : i32
        %lt3A_250 = arith.cmpi slt, %rem3A_246, %lt3A_249 : i32
        %lt3A_251 = arith.constant 0 : i32
        %lt3A_252 = arith.cmpi slt, %select_n3A_245, %lt3A_251 : i32
        %ne3A_253 = arith.xori %lt3A_250, %lt3A_252 : i1
        %and3A_254 = arith.andi %ne3A_253, %ne3A_248 : i1
        %add3A_255 = arith.addi %rem3A_246, %select_n3A_245 : i32
        %select_n3A_256 = arith.select %and3A_254, %add3A_255, %rem3A_246 : i32
        %dma_start3A_257 = arith.constant 0 : i32
        %dma_start3A_258 = arith.constant 0 : i32
        %dma_start3A_259 = tpu.memref_slice %arg6[%select_n3A_256, %dma_start3A_257, %dma_start3A_258] : memref<2x3200x16xf32, #tpu.memory_space<vmem>> -> memref<1x3200x16xf32, #tpu.memory_space<vmem>>
        %dma_start3A_260 = tpu.memref_squeeze %dma_start3A_259 : memref<1x3200x16xf32, #tpu.memory_space<vmem>> -> memref<3200x16xf32, #tpu.memory_space<vmem>>
        %dma_start3A_261 = arith.constant 0 : i32
        %dma_start3A_262 = tpu.memref_slice %arg5[%select_n3A_240, %dma_start3A_261] : memref<2x3200xi32, #tpu.memory_space<vmem>> -> memref<1x3200xi32, #tpu.memory_space<vmem>>
        %dma_start3A_263 = tpu.memref_squeeze %dma_start3A_262 : memref<1x3200xi32, #tpu.memory_space<vmem>> -> memref<3200xi32, #tpu.memory_space<vmem>>
        %dma_start3A_264 = arith.constant 0 : i32
        %dma_start3A_265 = arith.constant 0 : i32
        %dma_start3A_266 = tpu.memref_slice %arg3[%dma_start3A_264, %dma_start3A_265] : memref<3276800x16xf32, #tpu.memory_space<hbm>> -> memref<3276800x16xf32, #tpu.memory_space<hbm>>
        tpu.enqueue_indirect_dma source(%dma_start3A_266 : memref<3276800x16xf32, #tpu.memory_space<hbm>>) target(%dma_start3A_260 : memref<3200x16xf32, #tpu.memory_space<vmem>>) offsets(%dma_start3A_263 : memref<3200xi32, #tpu.memory_space<vmem>>) semaphore(%arg7 : memref<!tpu.dma_semaphore, #tpu.memory_space<semaphore_mem>>)
      } else {
      }
    }
    %scan3A_25 = arith.constant 26 : i32
    %add3A_26 = arith.constant 0 : i32
    %add3A_27 = arith.addi %mul3A_2, %add3A_26 : i32
    %dma_wait3A = arith.constant 0 : i32
    %dma_wait3A_28 = arith.constant 3 : i32
    %dma_wait3A_29 = arith.constant 0 : i32
    %dma_wait3A_30 = arith.constant 0 : i32
    %dma_wait3A_31 = tpu.memref_slice %arg6[%dma_wait3A, %dma_wait3A_29, %dma_wait3A_30] : memref<2x3200x16xf32, #tpu.memory_space<vmem>> -> memref<1x3200x16xf32, #tpu.memory_space<vmem>>
    %dma_wait3A_32 = tpu.memref_squeeze %dma_wait3A_31 : memref<1x3200x16xf32, #tpu.memory_space<vmem>> -> memref<3200x16xf32, #tpu.memory_space<vmem>>
    %dma_wait3A_33 = arith.constant 0 : i32
    %dma_wait3A_34 = tpu.memref_slice %arg4[%dma_wait3A_28, %add3A_27, %dma_wait3A_33] : memref<4x102400x128xf32, #tpu.memory_space<hbm>> -> memref<1x3200x16xf32, #tpu.memory_space<hbm>>
    %dma_wait3A_35 = tpu.memref_squeeze %dma_wait3A_34 : memref<1x3200x16xf32, #tpu.memory_space<hbm>> -> memref<3200x16xf32, #tpu.memory_space<hbm>>
    %dma_wait3A_36 = arith.constant 0 : i32
    %dma_wait3A_37 = tpu.memref_slice %arg4[%dma_wait3A_28, %add3A_27, %dma_wait3A_36] : memref<4x102400x128xf32, #tpu.memory_space<hbm>> -> memref<1x3200x16xf32, #tpu.memory_space<hbm>>
    %dma_wait3A_38 = tpu.memref_squeeze %dma_wait3A_37 : memref<1x3200x16xf32, #tpu.memory_space<hbm>> -> memref<3200x16xf32, #tpu.memory_space<hbm>>
    %dma_wait3A_39 = arith.constant 0 : i32
    %dma_wait3A_40 = arith.constant 0 : i32
    %dma_wait3A_41 = tpu.memref_slice %arg6[%dma_wait3A, %dma_wait3A_39, %dma_wait3A_40] : memref<2x3200x16xf32, #tpu.memory_space<vmem>> -> memref<1x3200x16xf32, #tpu.memory_space<vmem>>
    %dma_wait3A_42 = tpu.memref_squeeze %dma_wait3A_41 : memref<1x3200x16xf32, #tpu.memory_space<vmem>> -> memref<3200x16xf32, #tpu.memory_space<vmem>>
    tpu.wait_dma2 semaphore(%arg8 : memref<!tpu.dma_semaphore, #tpu.memory_space<semaphore_mem>>) src(%dma_wait3A_42 : memref<3200x16xf32, #tpu.memory_space<vmem>>) dst(%dma_wait3A_38 : memref<3200x16xf32, #tpu.memory_space<hbm>>)
    %add3A_43 = arith.constant 0 : i32
    %add3A_44 = arith.addi %mul3A_2, %add3A_43 : i32
    %dma_wait3A_45 = arith.constant 1 : i32
    %dma_wait3A_46 = arith.constant 3 : i32
    %dma_wait3A_47 = arith.constant 0 : i32
    %dma_wait3A_48 = arith.constant 0 : i32
    %dma_wait3A_49 = tpu.memref_slice %arg6[%dma_wait3A_45, %dma_wait3A_47, %dma_wait3A_48] : memref<2x3200x16xf32, #tpu.memory_space<vmem>> -> memref<1x3200x16xf32, #tpu.memory_space<vmem>>
    %dma_wait3A_50 = tpu.memref_squeeze %dma_wait3A_49 : memref<1x3200x16xf32, #tpu.memory_space<vmem>> -> memref<3200x16xf32, #tpu.memory_space<vmem>>
    %dma_wait3A_51 = arith.constant 16 : i32
    %dma_wait3A_52 = tpu.memref_slice %arg4[%dma_wait3A_46, %add3A_44, %dma_wait3A_51] : memref<4x102400x128xf32, #tpu.memory_space<hbm>> -> memref<1x3200x16xf32, #tpu.memory_space<hbm>>
    %dma_wait3A_53 = tpu.memref_squeeze %dma_wait3A_52 : memref<1x3200x16xf32, #tpu.memory_space<hbm>> -> memref<3200x16xf32, #tpu.memory_space<hbm>>
    %dma_wait3A_54 = arith.constant 16 : i32
    %dma_wait3A_55 = tpu.memref_slice %arg4[%dma_wait3A_46, %add3A_44, %dma_wait3A_54] : memref<4x102400x128xf32, #tpu.memory_space<hbm>> -> memref<1x3200x16xf32, #tpu.memory_space<hbm>>
    %dma_wait3A_56 = tpu.memref_squeeze %dma_wait3A_55 : memref<1x3200x16xf32, #tpu.memory_space<hbm>> -> memref<3200x16xf32, #tpu.memory_space<hbm>>
    %dma_wait3A_57 = arith.constant 0 : i32
    %dma_wait3A_58 = arith.constant 0 : i32
    %dma_wait3A_59 = tpu.memref_slice %arg6[%dma_wait3A_45, %dma_wait3A_57, %dma_wait3A_58] : memref<2x3200x16xf32, #tpu.memory_space<vmem>> -> memref<1x3200x16xf32, #tpu.memory_space<vmem>>
    %dma_wait3A_60 = tpu.memref_squeeze %dma_wait3A_59 : memref<1x3200x16xf32, #tpu.memory_space<vmem>> -> memref<3200x16xf32, #tpu.memory_space<vmem>>
    tpu.wait_dma2 semaphore(%arg8 : memref<!tpu.dma_semaphore, #tpu.memory_space<semaphore_mem>>) src(%dma_wait3A_60 : memref<3200x16xf32, #tpu.memory_space<vmem>>) dst(%dma_wait3A_56 : memref<3200x16xf32, #tpu.memory_space<hbm>>)
    return
  }
}

#map = affine_map<(d0, d1) -> (0, 0)>
#map1 = affine_map<(d0, d1) -> (0, 0, 0)>
module attributes {stable_mosaic.version = 14 : i64} {
  func.func @gather_k(%arg0: i32, %arg1: i32, %arg2: memref<26x102400xi32, #tpu.memory_space<hbm>>, %arg3: memref<3276800x16xf32, #tpu.memory_space<hbm>>, %arg4: memref<4x102400x128xf32, #tpu.memory_space<hbm>>, %arg5: memref<2x3200xi32, #tpu.memory_space<vmem>>, %arg6: memref<2x3200x16xf32, #tpu.memory_space<vmem>>, %arg7: memref<!tpu.dma_semaphore, #tpu.memory_space<semaphore_mem>>, %arg8: memref<!tpu.dma_semaphore, #tpu.memory_space<semaphore_mem>>) attributes {dimension_semantics = [#tpu.dimension_semantics<core_parallel>, #tpu.dimension_semantics<subcore_parallel>], iteration_bounds = array<i64: 2, 16>, scalar_prefetch = 0 : i64, scratch_operands = 4 : i64, tpu.core_type = #tpu.core_type<sc_vector_subcore>, window_params = [{transform_indices = #map}, {transform_indices = #map}, {transform_indices = #map1}]} {
    %mul3A = arith.constant 2 : i32
    %mul3A_0 = arith.muli %arg1, %mul3A : i32
    %add3A = arith.addi %mul3A_0, %arg0 : i32
    %mul3A_1 = arith.constant 3200 : i32
    %mul3A_2 = arith.muli %add3A, %mul3A_1 : i32
    %add3A_3 = arith.constant 0 : i32
    %add3A_4 = arith.addi %mul3A_2, %add3A_3 : i32
    %run_scoped3A = arith.constant 0 : i32
    %run_scoped3A_5 = arith.constant 0 : i32
    "tpu.region"() ({
      %run_scoped3A_61 = tpu.sem_alloc : memref<!tpu.dma_semaphore, #tpu.memory_space<semaphore_mem>>
      %dma_start3A_62 = arith.constant 0 : i32
      %dma_start3A_63 = tpu.memref_slice %arg5[%run_scoped3A_5, %dma_start3A_62] : memref<2x3200xi32, #tpu.memory_space<vmem>> -> memref<1x3200xi32, #tpu.memory_space<vmem>>
      %dma_start3A_64 = tpu.memref_squeeze %dma_start3A_63 : memref<1x3200xi32, #tpu.memory_space<vmem>> -> memref<3200xi32, #tpu.memory_space<vmem>>
      %dma_start3A_65 = tpu.memref_slice %arg2[%run_scoped3A, %add3A_4] : memref<26x102400xi32, #tpu.memory_space<hbm>> -> memref<1x3200xi32, #tpu.memory_space<hbm>>
      %dma_start3A_66 = tpu.memref_squeeze %dma_start3A_65 : memref<1x3200xi32, #tpu.memory_space<hbm>> -> memref<3200xi32, #tpu.memory_space<hbm>>
      %dma_start3A_67 = arith.constant 0 : i32
      %dma_start3A_68 = tpu.memref_slice %arg5[%run_scoped3A_5, %dma_start3A_67] : memref<2x3200xi32, #tpu.memory_space<vmem>> -> memref<1x3200xi32, #tpu.memory_space<vmem>>
      %dma_start3A_69 = tpu.memref_squeeze %dma_start3A_68 : memref<1x3200xi32, #tpu.memory_space<vmem>> -> memref<3200xi32, #tpu.memory_space<vmem>>
      %dma_start3A_70 = tpu.memref_slice %arg2[%run_scoped3A, %add3A_4] : memref<26x102400xi32, #tpu.memory_space<hbm>> -> memref<1x3200xi32, #tpu.memory_space<hbm>>
      %dma_start3A_71 = tpu.memref_squeeze %dma_start3A_70 : memref<1x3200xi32, #tpu.memory_space<hbm>> -> memref<3200xi32, #tpu.memory_space<hbm>>
      tpu.enqueue_dma source(%dma_start3A_71 : memref<3200xi32, #tpu.memory_space<hbm>>) target(%dma_start3A_69 : memref<3200xi32, #tpu.memory_space<vmem>>) target_semaphore(%run_scoped3A_61 : memref<!tpu.dma_semaphore, #tpu.memory_space<semaphore_mem>>)
      %dma_wait3A_72 = arith.constant 0 : i32
      %dma_wait3A_73 = tpu.memref_slice %arg5[%run_scoped3A_5, %dma_wait3A_72] : memref<2x3200xi32, #tpu.memory_space<vmem>> -> memref<1x3200xi32, #tpu.memory_space<vmem>>
      %dma_wait3A_74 = tpu.memref_squeeze %dma_wait3A_73 : memref<1x3200xi32, #tpu.memory_space<vmem>> -> memref<3200xi32, #tpu.memory_space<vmem>>
      %dma_wait3A_75 = tpu.memref_slice %arg2[%run_scoped3A, %add3A_4] : memref<26x102400xi32, #tpu.memory_space<hbm>> -> memref<1x3200xi32, #tpu.memory_space<hbm>>
      %dma_wait3A_76 = tpu.memref_squeeze %dma_wait3A_75 : memref<1x3200xi32, #tpu.memory_space<hbm>> -> memref<3200xi32, #tpu.memory_space<hbm>>
      %dma_wait3A_77 = arith.constant 0 : i32
      %dma_wait3A_78 = tpu.memref_slice %arg5[%run_scoped3A_5, %dma_wait3A_77] : memref<2x3200xi32, #tpu.memory_space<vmem>> -> memref<1x3200xi32, #tpu.memory_space<vmem>>
      %dma_wait3A_79 = tpu.memref_squeeze %dma_wait3A_78 : memref<1x3200xi32, #tpu.memory_space<vmem>> -> memref<3200xi32, #tpu.memory_space<vmem>>
      %dma_wait3A_80 = tpu.memref_slice %arg2[%run_scoped3A, %add3A_4] : memref<26x102400xi32, #tpu.memory_space<hbm>> -> memref<1x3200xi32, #tpu.memory_space<hbm>>
      %dma_wait3A_81 = tpu.memref_squeeze %dma_wait3A_80 : memref<1x3200xi32, #tpu.memory_space<hbm>> -> memref<3200xi32, #tpu.memory_space<hbm>>
      tpu.wait_dma2 semaphore(%run_scoped3A_61 : memref<!tpu.dma_semaphore, #tpu.memory_space<semaphore_mem>>) src(%dma_wait3A_81 : memref<3200xi32, #tpu.memory_space<hbm>>) dst(%dma_wait3A_79 : memref<3200xi32, #tpu.memory_space<vmem>>)
      tpu.yield
    }) : () -> ()
    %dma_start3A = arith.constant 0 : i32
    %dma_start3A_6 = arith.constant 0 : i32
    %dma_start3A_7 = arith.constant 0 : i32
    %dma_start3A_8 = arith.constant 0 : i32
    %dma_start3A_9 = tpu.memref_slice %arg6[%dma_start3A_6, %dma_start3A_7, %dma_start3A_8] : memref<2x3200x16xf32, #tpu.memory_space<vmem>> -> memref<1x3200x16xf32, #tpu.memory_space<vmem>>
    %dma_start3A_10 = tpu.memref_squeeze %dma_start3A_9 : memref<1x3200x16xf32, #tpu.memory_space<vmem>> -> memref<3200x16xf32, #tpu.memory_space<vmem>>
    %dma_start3A_11 = arith.constant 0 : i32
    %dma_start3A_12 = tpu.memref_slice %arg5[%dma_start3A, %dma_start3A_11] : memref<2x3200xi32, #tpu.memory_space<vmem>> -> memref<1x3200xi32, #tpu.memory_space<vmem>>
    %dma_start3A_13 = tpu.memref_squeeze %dma_start3A_12 : memref<1x3200xi32, #tpu.memory_space<vmem>> -> memref<3200xi32, #tpu.memory_space<vmem>>
    %dma_start3A_14 = arith.constant 0 : i32
    %dma_start3A_15 = arith.constant 0 : i32
    %dma_start3A_16 = tpu.memref_slice %arg3[%dma_start3A_14, %dma_start3A_15] : memref<3276800x16xf32, #tpu.memory_space<hbm>> -> memref<3276800x16xf32, #tpu.memory_space<hbm>>
    tpu.enqueue_indirect_dma source(%dma_start3A_16 : memref<3276800x16xf32, #tpu.memory_space<hbm>>) target(%dma_start3A_10 : memref<3200x16xf32, #tpu.memory_space<vmem>>) offsets(%dma_start3A_13 : memref<3200xi32, #tpu.memory_space<vmem>>) semaphore(%arg7 : memref<!tpu.dma_semaphore, #tpu.memory_space<semaphore_mem>>)
    %add3A_17 = arith.constant 0 : i32
    %add3A_18 = arith.addi %mul3A_2, %add3A_17 : i32
    %run_scoped3A_19 = arith.constant 1 : i32
    %run_scoped3A_20 = arith.constant 1 : i32
    "tpu.region"() ({
      %run_scoped3A_61 = tpu.sem_alloc : memref<!tpu.dma_semaphore, #tpu.memory_space<semaphore_mem>>
      %dma_start3A_62 = arith.constant 0 : i32
      %dma_start3A_63 = tpu.memref_slice %arg5[%run_scoped3A_20, %dma_start3A_62] : memref<2x3200xi32, #tpu.memory_space<vmem>> -> memref<1x3200xi32, #tpu.memory_space<vmem>>
      %dma_start3A_64 = tpu.memref_squeeze %dma_start3A_63 : memref<1x3200xi32, #tpu.memory_space<vmem>> -> memref<3200xi32, #tpu.memory_space<vmem>>
      %dma_start3A_65 = tpu.memref_slice %arg2[%run_scoped3A_19, %add3A_18] : memref<26x102400xi32, #tpu.memory_space<hbm>> -> memref<1x3200xi32, #tpu.memory_space<hbm>>
      %dma_start3A_66 = tpu.memref_squeeze %dma_start3A_65 : memref<1x3200xi32, #tpu.memory_space<hbm>> -> memref<3200xi32, #tpu.memory_space<hbm>>
      %dma_start3A_67 = arith.constant 0 : i32
      %dma_start3A_68 = tpu.memref_slice %arg5[%run_scoped3A_20, %dma_start3A_67] : memref<2x3200xi32, #tpu.memory_space<vmem>> -> memref<1x3200xi32, #tpu.memory_space<vmem>>
      %dma_start3A_69 = tpu.memref_squeeze %dma_start3A_68 : memref<1x3200xi32, #tpu.memory_space<vmem>> -> memref<3200xi32, #tpu.memory_space<vmem>>
      %dma_start3A_70 = tpu.memref_slice %arg2[%run_scoped3A_19, %add3A_18] : memref<26x102400xi32, #tpu.memory_space<hbm>> -> memref<1x3200xi32, #tpu.memory_space<hbm>>
      %dma_start3A_71 = tpu.memref_squeeze %dma_start3A_70 : memref<1x3200xi32, #tpu.memory_space<hbm>> -> memref<3200xi32, #tpu.memory_space<hbm>>
      tpu.enqueue_dma source(%dma_start3A_71 : memref<3200xi32, #tpu.memory_space<hbm>>) target(%dma_start3A_69 : memref<3200xi32, #tpu.memory_space<vmem>>) target_semaphore(%run_scoped3A_61 : memref<!tpu.dma_semaphore, #tpu.memory_space<semaphore_mem>>)
      %dma_wait3A_72 = arith.constant 0 : i32
      %dma_wait3A_73 = tpu.memref_slice %arg5[%run_scoped3A_20, %dma_wait3A_72] : memref<2x3200xi32, #tpu.memory_space<vmem>> -> memref<1x3200xi32, #tpu.memory_space<vmem>>
      %dma_wait3A_74 = tpu.memref_squeeze %dma_wait3A_73 : memref<1x3200xi32, #tpu.memory_space<vmem>> -> memref<3200xi32, #tpu.memory_space<vmem>>
      %dma_wait3A_75 = tpu.memref_slice %arg2[%run_scoped3A_19, %add3A_18] : memref<26x102400xi32, #tpu.memory_space<hbm>> -> memref<1x3200xi32, #tpu.memory_space<hbm>>
      %dma_wait3A_76 = tpu.memref_squeeze %dma_wait3A_75 : memref<1x3200xi32, #tpu.memory_space<hbm>> -> memref<3200xi32, #tpu.memory_space<hbm>>
      %dma_wait3A_77 = arith.constant 0 : i32
      %dma_wait3A_78 = tpu.memref_slice %arg5[%run_scoped3A_20, %dma_wait3A_77] : memref<2x3200xi32, #tpu.memory_space<vmem>> -> memref<1x3200xi32, #tpu.memory_space<vmem>>
      %dma_wait3A_79 = tpu.memref_squeeze %dma_wait3A_78 : memref<1x3200xi32, #tpu.memory_space<vmem>> -> memref<3200xi32, #tpu.memory_space<vmem>>
      %dma_wait3A_80 = tpu.memref_slice %arg2[%run_scoped3A_19, %add3A_18] : memref<26x102400xi32, #tpu.memory_space<hbm>> -> memref<1x3200xi32, #tpu.memory_space<hbm>>
      %dma_wait3A_81 = tpu.memref_squeeze %dma_wait3A_80 : memref<1x3200xi32, #tpu.memory_space<hbm>> -> memref<3200xi32, #tpu.memory_space<hbm>>
      tpu.wait_dma2 semaphore(%run_scoped3A_61 : memref<!tpu.dma_semaphore, #tpu.memory_space<semaphore_mem>>) src(%dma_wait3A_81 : memref<3200xi32, #tpu.memory_space<hbm>>) dst(%dma_wait3A_79 : memref<3200xi32, #tpu.memory_space<vmem>>)
      tpu.yield
    }) : () -> ()
    %scan3A = arith.constant 0 : i32
    %scan3A_21 = arith.constant 0 : i32
    %scan3A_22 = arith.constant 26 : i32
    %scan3A_23 = arith.addi %scan3A_21, %scan3A_22 : i32
    %scan3A_24 = arith.constant 1 : i32
    scf.for %scan3A_61 = %scan3A_21 to %scan3A_23 step %scan3A_24  : i32 {
      %jit3A = arith.constant 2 : i32
      %eq3A = arith.constant 0 : i32
      %eq3A_62 = arith.cmpi eq, %jit3A, %eq3A : i32
      %jit3A_63 = arith.constant 1 : i32
      %select_n3A = arith.select %eq3A_62, %jit3A_63, %jit3A : i32
      %rem3A = arith.remsi %scan3A_61, %select_n3A : i32
      %ne3A = arith.constant 0 : i32
      %ne3A_64 = arith.cmpi ne, %rem3A, %ne3A : i32
      %lt3A = arith.constant 0 : i32
      %lt3A_65 = arith.cmpi slt, %rem3A, %lt3A : i32
      %lt3A_66 = arith.constant 0 : i32
      %lt3A_67 = arith.cmpi slt, %select_n3A, %lt3A_66 : i32
      %ne3A_68 = arith.xori %lt3A_65, %lt3A_67 : i1
      %and3A = arith.andi %ne3A_68, %ne3A_64 : i1
      %add3A_69 = arith.addi %rem3A, %select_n3A : i32
      %select_n3A_70 = arith.select %and3A, %add3A_69, %rem3A : i32
      %jit3A_71 = arith.constant 2 : i32
      %eq3A_72 = arith.constant 0 : i32
      %eq3A_73 = arith.cmpi eq, %jit3A_71, %eq3A_72 : i32
      %jit3A_74 = arith.constant 1 : i32
      %select_n3A_75 = arith.select %eq3A_73, %jit3A_74, %jit3A_71 : i32
      %rem3A_76 = arith.remsi %scan3A_61, %select_n3A_75 : i32
      %ne3A_77 = arith.constant 0 : i32
      %ne3A_78 = arith.cmpi ne, %rem3A_76, %ne3A_77 : i32
      %lt3A_79 = arith.constant 0 : i32
      %lt3A_80 = arith.cmpi slt, %rem3A_76, %lt3A_79 : i32
      %lt3A_81 = arith.constant 0 : i32
      %lt3A_82 = arith.cmpi slt, %select_n3A_75, %lt3A_81 : i32
      %ne3A_83 = arith.xori %lt3A_80, %lt3A_82 : i1
      %and3A_84 = arith.andi %ne3A_83, %ne3A_78 : i1
      %add3A_85 = arith.addi %rem3A_76, %select_n3A_75 : i32
      %select_n3A_86 = arith.select %and3A_84, %add3A_85, %rem3A_76 : i32
      %dma_wait3A_87 = arith.constant 0 : i32
      %dma_wait3A_88 = arith.constant 0 : i32
      %dma_wait3A_89 = tpu.memref_slice %arg6[%select_n3A_86, %dma_wait3A_87, %dma_wait3A_88] : memref<2x3200x16xf32, #tpu.memory_space<vmem>> -> memref<1x3200x16xf32, #tpu.memory_space<vmem>>
      %dma_wait3A_90 = tpu.memref_squeeze %dma_wait3A_89 : memref<1x3200x16xf32, #tpu.memory_space<vmem>> -> memref<3200x16xf32, #tpu.memory_space<vmem>>
      %dma_wait3A_91 = arith.constant 0 : i32
      %dma_wait3A_92 = tpu.memref_slice %arg5[%select_n3A_70, %dma_wait3A_91] : memref<2x3200xi32, #tpu.memory_space<vmem>> -> memref<1x3200xi32, #tpu.memory_space<vmem>>
      %dma_wait3A_93 = tpu.memref_squeeze %dma_wait3A_92 : memref<1x3200xi32, #tpu.memory_space<vmem>> -> memref<3200xi32, #tpu.memory_space<vmem>>
      %dma_wait3A_94 = arith.constant 0 : i32
      %dma_wait3A_95 = arith.constant 0 : i32
      %dma_wait3A_96 = tpu.memref_slice %arg3[%dma_wait3A_94, %dma_wait3A_95] : memref<3276800x16xf32, #tpu.memory_space<hbm>> -> memref<3276800x16xf32, #tpu.memory_space<hbm>>
      tpu.wait_indirect_dma semaphore(%arg7 : memref<!tpu.dma_semaphore, #tpu.memory_space<semaphore_mem>>) src(%dma_wait3A_96 : memref<3276800x16xf32, #tpu.memory_space<hbm>>) dst(%dma_wait3A_90 : memref<3200x16xf32, #tpu.memory_space<vmem>>)
      %jit3A_97 = arith.constant 2 : i32
      %eq3A_98 = arith.constant 0 : i32
      %eq3A_99 = arith.cmpi eq, %jit3A_97, %eq3A_98 : i32
      %jit3A_100 = arith.constant 1 : i32
      %select_n3A_101 = arith.select %eq3A_99, %jit3A_100, %jit3A_97 : i32
      %rem3A_102 = arith.remsi %scan3A_61, %select_n3A_101 : i32
      %ne3A_103 = arith.constant 0 : i32
      %ne3A_104 = arith.cmpi ne, %rem3A_102, %ne3A_103 : i32
      %lt3A_105 = arith.constant 0 : i32
      %lt3A_106 = arith.cmpi slt, %rem3A_102, %lt3A_105 : i32
      %lt3A_107 = arith.constant 0 : i32
      %lt3A_108 = arith.cmpi slt, %select_n3A_101, %lt3A_107 : i32
      %ne3A_109 = arith.xori %lt3A_106, %lt3A_108 : i1
      %and3A_110 = arith.andi %ne3A_109, %ne3A_104 : i1
      %add3A_111 = arith.addi %rem3A_102, %select_n3A_101 : i32
      %select_n3A_112 = arith.select %and3A_110, %add3A_111, %rem3A_102 : i32
      %jit3A_113 = arith.constant 1 : i32
      %div3A = arith.divsi %scan3A_61, %jit3A_113 : i32
      %sign3A = arith.constant 0 : i32
      %sign3A_114 = arith.cmpi sgt, %scan3A_61, %sign3A : i32
      %sign3A_115 = arith.extui %sign3A_114 : i1 to i32
      %sign3A_116 = arith.constant 0 : i32
      %sign3A_117 = arith.cmpi slt, %scan3A_61, %sign3A_116 : i32
      %sign3A_118 = arith.extui %sign3A_117 : i1 to i32
      %sign3A_119 = arith.subi %sign3A_115, %sign3A_118 : i32
      %sign3A_120 = arith.constant 0 : i32
      %sign3A_121 = arith.cmpi sgt, %jit3A_113, %sign3A_120 : i32
      %sign3A_122 = arith.extui %sign3A_121 : i1 to i32
      %sign3A_123 = arith.constant 0 : i32
      %sign3A_124 = arith.cmpi slt, %jit3A_113, %sign3A_123 : i32
      %sign3A_125 = arith.extui %sign3A_124 : i1 to i32
      %sign3A_126 = arith.subi %sign3A_122, %sign3A_125 : i32
      %ne3A_127 = arith.cmpi ne, %sign3A_119, %sign3A_126 : i32
      %rem3A_128 = arith.remsi %scan3A_61, %jit3A_113 : i32
      %ne3A_129 = arith.constant 0 : i32
      %ne3A_130 = arith.cmpi ne, %rem3A_128, %ne3A_129 : i32
      %and3A_131 = arith.andi %ne3A_127, %ne3A_130 : i1
      %sub3A = arith.constant 1 : i32
      %sub3A_132 = arith.subi %div3A, %sub3A : i32
      %select_n3A_133 = arith.select %and3A_131, %sub3A_132, %div3A : i32
      %jit3A_134 = arith.constant 1 : i32
      %eq3A_135 = arith.constant 0 : i32
      %eq3A_136 = arith.cmpi eq, %jit3A_134, %eq3A_135 : i32
      %jit3A_137 = arith.constant 1 : i32
      %select_n3A_138 = arith.select %eq3A_136, %jit3A_137, %jit3A_134 : i32
      %rem3A_139 = arith.remsi %scan3A_61, %select_n3A_138 : i32
      %ne3A_140 = arith.constant 0 : i32
      %ne3A_141 = arith.cmpi ne, %rem3A_139, %ne3A_140 : i32
      %lt3A_142 = arith.constant 0 : i32
      %lt3A_143 = arith.cmpi slt, %rem3A_139, %lt3A_142 : i32
      %lt3A_144 = arith.constant 0 : i32
      %lt3A_145 = arith.cmpi slt, %select_n3A_138, %lt3A_144 : i32
      %ne3A_146 = arith.xori %lt3A_143, %lt3A_145 : i1
      %and3A_147 = arith.andi %ne3A_146, %ne3A_141 : i1
      %add3A_148 = arith.addi %rem3A_139, %select_n3A_138 : i32
      %select_n3A_149 = arith.select %and3A_147, %add3A_148, %rem3A_139 : i32
      %mul3A_150 = arith.constant 3200 : i32
      %mul3A_151 = arith.muli %select_n3A_149, %mul3A_150 : i32
      %add3A_152 = arith.addi %mul3A_2, %mul3A_151 : i32
      %jit3A_153 = arith.constant 8 : i32
      %div3A_154 = arith.divsi %select_n3A_133, %jit3A_153 : i32
      %sign3A_155 = arith.constant 0 : i32
      %sign3A_156 = arith.cmpi sgt, %select_n3A_133, %sign3A_155 : i32
      %sign3A_157 = arith.extui %sign3A_156 : i1 to i32
      %sign3A_158 = arith.constant 0 : i32
      %sign3A_159 = arith.cmpi slt, %select_n3A_133, %sign3A_158 : i32
      %sign3A_160 = arith.extui %sign3A_159 : i1 to i32
      %sign3A_161 = arith.subi %sign3A_157, %sign3A_160 : i32
      %sign3A_162 = arith.constant 0 : i32
      %sign3A_163 = arith.cmpi sgt, %jit3A_153, %sign3A_162 : i32
      %sign3A_164 = arith.extui %sign3A_163 : i1 to i32
      %sign3A_165 = arith.constant 0 : i32
      %sign3A_166 = arith.cmpi slt, %jit3A_153, %sign3A_165 : i32
      %sign3A_167 = arith.extui %sign3A_166 : i1 to i32
      %sign3A_168 = arith.subi %sign3A_164, %sign3A_167 : i32
      %ne3A_169 = arith.cmpi ne, %sign3A_161, %sign3A_168 : i32
      %rem3A_170 = arith.remsi %select_n3A_133, %jit3A_153 : i32
      %ne3A_171 = arith.constant 0 : i32
      %ne3A_172 = arith.cmpi ne, %rem3A_170, %ne3A_171 : i32
      %and3A_173 = arith.andi %ne3A_169, %ne3A_172 : i1
      %sub3A_174 = arith.constant 1 : i32
      %sub3A_175 = arith.subi %div3A_154, %sub3A_174 : i32
      %select_n3A_176 = arith.select %and3A_173, %sub3A_175, %div3A_154 : i32
      %jit3A_177 = arith.constant 8 : i32
      %eq3A_178 = arith.constant 0 : i32
      %eq3A_179 = arith.cmpi eq, %jit3A_177, %eq3A_178 : i32
      %jit3A_180 = arith.constant 1 : i32
      %select_n3A_181 = arith.select %eq3A_179, %jit3A_180, %jit3A_177 : i32
      %rem3A_182 = arith.remsi %select_n3A_133, %select_n3A_181 : i32
      %ne3A_183 = arith.constant 0 : i32
      %ne3A_184 = arith.cmpi ne, %rem3A_182, %ne3A_183 : i32
      %lt3A_185 = arith.constant 0 : i32
      %lt3A_186 = arith.cmpi slt, %rem3A_182, %lt3A_185 : i32
      %lt3A_187 = arith.constant 0 : i32
      %lt3A_188 = arith.cmpi slt, %select_n3A_181, %lt3A_187 : i32
      %ne3A_189 = arith.xori %lt3A_186, %lt3A_188 : i1
      %and3A_190 = arith.andi %ne3A_189, %ne3A_184 : i1
      %add3A_191 = arith.addi %rem3A_182, %select_n3A_181 : i32
      %select_n3A_192 = arith.select %and3A_190, %add3A_191, %rem3A_182 : i32
      %mul3A_193 = arith.constant 16 : i32
      %mul3A_194 = arith.muli %select_n3A_192, %mul3A_193 : i32
      %dma_start3A_195 = arith.constant 0 : i32
      %dma_start3A_196 = arith.constant 0 : i32
      %dma_start3A_197 = tpu.memref_slice %arg6[%select_n3A_112, %dma_start3A_195, %dma_start3A_196] : memref<2x3200x16xf32, #tpu.memory_space<vmem>> -> memref<1x3200x16xf32, #tpu.memory_space<vmem>>
      %dma_start3A_198 = tpu.memref_squeeze %dma_start3A_197 : memref<1x3200x16xf32, #tpu.memory_space<vmem>> -> memref<3200x16xf32, #tpu.memory_space<vmem>>
      %dma_start3A_199 = tpu.memref_slice %arg4[%select_n3A_176, %add3A_152, %mul3A_194] : memref<4x102400x128xf32, #tpu.memory_space<hbm>> -> memref<1x3200x16xf32, #tpu.memory_space<hbm>>
      %dma_start3A_200 = tpu.memref_squeeze %dma_start3A_199 : memref<1x3200x16xf32, #tpu.memory_space<hbm>> -> memref<3200x16xf32, #tpu.memory_space<hbm>>
      %dma_start3A_201 = tpu.memref_slice %arg4[%select_n3A_176, %add3A_152, %mul3A_194] : memref<4x102400x128xf32, #tpu.memory_space<hbm>> -> memref<1x3200x16xf32, #tpu.memory_space<hbm>>
      %dma_start3A_202 = tpu.memref_squeeze %dma_start3A_201 : memref<1x3200x16xf32, #tpu.memory_space<hbm>> -> memref<3200x16xf32, #tpu.memory_space<hbm>>
      %dma_start3A_203 = arith.constant 0 : i32
      %dma_start3A_204 = arith.constant 0 : i32
      %dma_start3A_205 = tpu.memref_slice %arg6[%select_n3A_112, %dma_start3A_203, %dma_start3A_204] : memref<2x3200x16xf32, #tpu.memory_space<vmem>> -> memref<1x3200x16xf32, #tpu.memory_space<vmem>>
      %dma_start3A_206 = tpu.memref_squeeze %dma_start3A_205 : memref<1x3200x16xf32, #tpu.memory_space<vmem>> -> memref<3200x16xf32, #tpu.memory_space<vmem>>
      tpu.enqueue_dma source(%dma_start3A_206 : memref<3200x16xf32, #tpu.memory_space<vmem>>) target(%dma_start3A_202 : memref<3200x16xf32, #tpu.memory_space<hbm>>) target_semaphore(%arg8 : memref<!tpu.dma_semaphore, #tpu.memory_space<semaphore_mem>>)
      %add3A_207 = arith.constant 2 : i32
      %add3A_208 = arith.addi %scan3A_61, %add3A_207 : i32
      %lt3A_209 = arith.constant 26 : i32
      %lt3A_210 = arith.cmpi slt, %add3A_208, %lt3A_209 : i32
      %convert_element_type3A = arith.extui %lt3A_210 : i1 to i32
      %cond3A = arith.constant 0 : i32
      %cond3A_211 = arith.cmpi ne, %convert_element_type3A, %cond3A : i32
      scf.if %cond3A_211 {
        %add3A_219 = arith.constant 2 : i32
        %add3A_220 = arith.addi %scan3A_61, %add3A_219 : i32
        %jit3A_221 = arith.constant 1 : i32
        %div3A_222 = arith.divsi %add3A_220, %jit3A_221 : i32
        %sign3A_223 = arith.constant 0 : i32
        %sign3A_224 = arith.cmpi sgt, %add3A_220, %sign3A_223 : i32
        %sign3A_225 = arith.extui %sign3A_224 : i1 to i32
        %sign3A_226 = arith.constant 0 : i32
        %sign3A_227 = arith.cmpi slt, %add3A_220, %sign3A_226 : i32
        %sign3A_228 = arith.extui %sign3A_227 : i1 to i32
        %sign3A_229 = arith.subi %sign3A_225, %sign3A_228 : i32
        %sign3A_230 = arith.constant 0 : i32
        %sign3A_231 = arith.cmpi sgt, %jit3A_221, %sign3A_230 : i32
        %sign3A_232 = arith.extui %sign3A_231 : i1 to i32
        %sign3A_233 = arith.constant 0 : i32
        %sign3A_234 = arith.cmpi slt, %jit3A_221, %sign3A_233 : i32
        %sign3A_235 = arith.extui %sign3A_234 : i1 to i32
        %sign3A_236 = arith.subi %sign3A_232, %sign3A_235 : i32
        %ne3A_237 = arith.cmpi ne, %sign3A_229, %sign3A_236 : i32
        %rem3A_238 = arith.remsi %add3A_220, %jit3A_221 : i32
        %ne3A_239 = arith.constant 0 : i32
        %ne3A_240 = arith.cmpi ne, %rem3A_238, %ne3A_239 : i32
        %and3A_241 = arith.andi %ne3A_237, %ne3A_240 : i1
        %sub3A_242 = arith.constant 1 : i32
        %sub3A_243 = arith.subi %div3A_222, %sub3A_242 : i32
        %select_n3A_244 = arith.select %and3A_241, %sub3A_243, %div3A_222 : i32
        %jit3A_245 = arith.constant 1 : i32
        %eq3A_246 = arith.constant 0 : i32
        %eq3A_247 = arith.cmpi eq, %jit3A_245, %eq3A_246 : i32
        %jit3A_248 = arith.constant 1 : i32
        %select_n3A_249 = arith.select %eq3A_247, %jit3A_248, %jit3A_245 : i32
        %rem3A_250 = arith.remsi %add3A_220, %select_n3A_249 : i32
        %ne3A_251 = arith.constant 0 : i32
        %ne3A_252 = arith.cmpi ne, %rem3A_250, %ne3A_251 : i32
        %lt3A_253 = arith.constant 0 : i32
        %lt3A_254 = arith.cmpi slt, %rem3A_250, %lt3A_253 : i32
        %lt3A_255 = arith.constant 0 : i32
        %lt3A_256 = arith.cmpi slt, %select_n3A_249, %lt3A_255 : i32
        %ne3A_257 = arith.xori %lt3A_254, %lt3A_256 : i1
        %and3A_258 = arith.andi %ne3A_257, %ne3A_252 : i1
        %add3A_259 = arith.addi %rem3A_250, %select_n3A_249 : i32
        %select_n3A_260 = arith.select %and3A_258, %add3A_259, %rem3A_250 : i32
        %mul3A_261 = arith.constant 3200 : i32
        %mul3A_262 = arith.muli %select_n3A_260, %mul3A_261 : i32
        %add3A_263 = arith.addi %mul3A_2, %mul3A_262 : i32
        %jit3A_264 = arith.constant 2 : i32
        %eq3A_265 = arith.constant 0 : i32
        %eq3A_266 = arith.cmpi eq, %jit3A_264, %eq3A_265 : i32
        %jit3A_267 = arith.constant 1 : i32
        %select_n3A_268 = arith.select %eq3A_266, %jit3A_267, %jit3A_264 : i32
        %rem3A_269 = arith.remsi %add3A_220, %select_n3A_268 : i32
        %ne3A_270 = arith.constant 0 : i32
        %ne3A_271 = arith.cmpi ne, %rem3A_269, %ne3A_270 : i32
        %lt3A_272 = arith.constant 0 : i32
        %lt3A_273 = arith.cmpi slt, %rem3A_269, %lt3A_272 : i32
        %lt3A_274 = arith.constant 0 : i32
        %lt3A_275 = arith.cmpi slt, %select_n3A_268, %lt3A_274 : i32
        %ne3A_276 = arith.xori %lt3A_273, %lt3A_275 : i1
        %and3A_277 = arith.andi %ne3A_276, %ne3A_271 : i1
        %add3A_278 = arith.addi %rem3A_269, %select_n3A_268 : i32
        %select_n3A_279 = arith.select %and3A_277, %add3A_278, %rem3A_269 : i32
        "tpu.region"() ({
          %run_scoped3A_280 = tpu.sem_alloc : memref<!tpu.dma_semaphore, #tpu.memory_space<semaphore_mem>>
          %dma_start3A_281 = arith.constant 0 : i32
          %dma_start3A_282 = tpu.memref_slice %arg5[%select_n3A_279, %dma_start3A_281] : memref<2x3200xi32, #tpu.memory_space<vmem>> -> memref<1x3200xi32, #tpu.memory_space<vmem>>
          %dma_start3A_283 = tpu.memref_squeeze %dma_start3A_282 : memref<1x3200xi32, #tpu.memory_space<vmem>> -> memref<3200xi32, #tpu.memory_space<vmem>>
          %dma_start3A_284 = tpu.memref_slice %arg2[%select_n3A_244, %add3A_263] : memref<26x102400xi32, #tpu.memory_space<hbm>> -> memref<1x3200xi32, #tpu.memory_space<hbm>>
          %dma_start3A_285 = tpu.memref_squeeze %dma_start3A_284 : memref<1x3200xi32, #tpu.memory_space<hbm>> -> memref<3200xi32, #tpu.memory_space<hbm>>
          %dma_start3A_286 = arith.constant 0 : i32
          %dma_start3A_287 = tpu.memref_slice %arg5[%select_n3A_279, %dma_start3A_286] : memref<2x3200xi32, #tpu.memory_space<vmem>> -> memref<1x3200xi32, #tpu.memory_space<vmem>>
          %dma_start3A_288 = tpu.memref_squeeze %dma_start3A_287 : memref<1x3200xi32, #tpu.memory_space<vmem>> -> memref<3200xi32, #tpu.memory_space<vmem>>
          %dma_start3A_289 = tpu.memref_slice %arg2[%select_n3A_244, %add3A_263] : memref<26x102400xi32, #tpu.memory_space<hbm>> -> memref<1x3200xi32, #tpu.memory_space<hbm>>
          %dma_start3A_290 = tpu.memref_squeeze %dma_start3A_289 : memref<1x3200xi32, #tpu.memory_space<hbm>> -> memref<3200xi32, #tpu.memory_space<hbm>>
          tpu.enqueue_dma source(%dma_start3A_290 : memref<3200xi32, #tpu.memory_space<hbm>>) target(%dma_start3A_288 : memref<3200xi32, #tpu.memory_space<vmem>>) target_semaphore(%run_scoped3A_280 : memref<!tpu.dma_semaphore, #tpu.memory_space<semaphore_mem>>)
          %dma_wait3A_291 = arith.constant 0 : i32
          %dma_wait3A_292 = tpu.memref_slice %arg5[%select_n3A_279, %dma_wait3A_291] : memref<2x3200xi32, #tpu.memory_space<vmem>> -> memref<1x3200xi32, #tpu.memory_space<vmem>>
          %dma_wait3A_293 = tpu.memref_squeeze %dma_wait3A_292 : memref<1x3200xi32, #tpu.memory_space<vmem>> -> memref<3200xi32, #tpu.memory_space<vmem>>
          %dma_wait3A_294 = tpu.memref_slice %arg2[%select_n3A_244, %add3A_263] : memref<26x102400xi32, #tpu.memory_space<hbm>> -> memref<1x3200xi32, #tpu.memory_space<hbm>>
          %dma_wait3A_295 = tpu.memref_squeeze %dma_wait3A_294 : memref<1x3200xi32, #tpu.memory_space<hbm>> -> memref<3200xi32, #tpu.memory_space<hbm>>
          %dma_wait3A_296 = arith.constant 0 : i32
          %dma_wait3A_297 = tpu.memref_slice %arg5[%select_n3A_279, %dma_wait3A_296] : memref<2x3200xi32, #tpu.memory_space<vmem>> -> memref<1x3200xi32, #tpu.memory_space<vmem>>
          %dma_wait3A_298 = tpu.memref_squeeze %dma_wait3A_297 : memref<1x3200xi32, #tpu.memory_space<vmem>> -> memref<3200xi32, #tpu.memory_space<vmem>>
          %dma_wait3A_299 = tpu.memref_slice %arg2[%select_n3A_244, %add3A_263] : memref<26x102400xi32, #tpu.memory_space<hbm>> -> memref<1x3200xi32, #tpu.memory_space<hbm>>
          %dma_wait3A_300 = tpu.memref_squeeze %dma_wait3A_299 : memref<1x3200xi32, #tpu.memory_space<hbm>> -> memref<3200xi32, #tpu.memory_space<hbm>>
          tpu.wait_dma2 semaphore(%run_scoped3A_280 : memref<!tpu.dma_semaphore, #tpu.memory_space<semaphore_mem>>) src(%dma_wait3A_300 : memref<3200xi32, #tpu.memory_space<hbm>>) dst(%dma_wait3A_298 : memref<3200xi32, #tpu.memory_space<vmem>>)
          tpu.yield
        }) : () -> ()
      } else {
      }
      %add3A_212 = arith.constant 1 : i32
      %add3A_213 = arith.addi %scan3A_61, %add3A_212 : i32
      %lt3A_214 = arith.constant 26 : i32
      %lt3A_215 = arith.cmpi slt, %add3A_213, %lt3A_214 : i32
      %convert_element_type3A_216 = arith.extui %lt3A_215 : i1 to i32
      %cond3A_217 = arith.constant 0 : i32
      %cond3A_218 = arith.cmpi ne, %convert_element_type3A_216, %cond3A_217 : i32
      scf.if %cond3A_218 {
        %ge3A = arith.constant 1 : i32
        %ge3A_219 = arith.cmpi sge, %scan3A_61, %ge3A : i32
        %convert_element_type3A_220 = arith.extui %ge3A_219 : i1 to i32
        %cond3A_221 = arith.constant 0 : i32
        %cond3A_222 = arith.cmpi ne, %convert_element_type3A_220, %cond3A_221 : i32
        scf.if %cond3A_222 {
          %sub3A_267 = arith.constant 1 : i32
          %sub3A_268 = arith.subi %scan3A_61, %sub3A_267 : i32
          %jit3A_269 = arith.constant 2 : i32
          %eq3A_270 = arith.constant 0 : i32
          %eq3A_271 = arith.cmpi eq, %jit3A_269, %eq3A_270 : i32
          %jit3A_272 = arith.constant 1 : i32
          %select_n3A_273 = arith.select %eq3A_271, %jit3A_272, %jit3A_269 : i32
          %rem3A_274 = arith.remsi %sub3A_268, %select_n3A_273 : i32
          %ne3A_275 = arith.constant 0 : i32
          %ne3A_276 = arith.cmpi ne, %rem3A_274, %ne3A_275 : i32
          %lt3A_277 = arith.constant 0 : i32
          %lt3A_278 = arith.cmpi slt, %rem3A_274, %lt3A_277 : i32
          %lt3A_279 = arith.constant 0 : i32
          %lt3A_280 = arith.cmpi slt, %select_n3A_273, %lt3A_279 : i32
          %ne3A_281 = arith.xori %lt3A_278, %lt3A_280 : i1
          %and3A_282 = arith.andi %ne3A_281, %ne3A_276 : i1
          %add3A_283 = arith.addi %rem3A_274, %select_n3A_273 : i32
          %select_n3A_284 = arith.select %and3A_282, %add3A_283, %rem3A_274 : i32
          %jit3A_285 = arith.constant 1 : i32
          %div3A_286 = arith.divsi %sub3A_268, %jit3A_285 : i32
          %sign3A_287 = arith.constant 0 : i32
          %sign3A_288 = arith.cmpi sgt, %sub3A_268, %sign3A_287 : i32
          %sign3A_289 = arith.extui %sign3A_288 : i1 to i32
          %sign3A_290 = arith.constant 0 : i32
          %sign3A_291 = arith.cmpi slt, %sub3A_268, %sign3A_290 : i32
          %sign3A_292 = arith.extui %sign3A_291 : i1 to i32
          %sign3A_293 = arith.subi %sign3A_289, %sign3A_292 : i32
          %sign3A_294 = arith.constant 0 : i32
          %sign3A_295 = arith.cmpi sgt, %jit3A_285, %sign3A_294 : i32
          %sign3A_296 = arith.extui %sign3A_295 : i1 to i32
          %sign3A_297 = arith.constant 0 : i32
          %sign3A_298 = arith.cmpi slt, %jit3A_285, %sign3A_297 : i32
          %sign3A_299 = arith.extui %sign3A_298 : i1 to i32
          %sign3A_300 = arith.subi %sign3A_296, %sign3A_299 : i32
          %ne3A_301 = arith.cmpi ne, %sign3A_293, %sign3A_300 : i32
          %rem3A_302 = arith.remsi %sub3A_268, %jit3A_285 : i32
          %ne3A_303 = arith.constant 0 : i32
          %ne3A_304 = arith.cmpi ne, %rem3A_302, %ne3A_303 : i32
          %and3A_305 = arith.andi %ne3A_301, %ne3A_304 : i1
          %sub3A_306 = arith.constant 1 : i32
          %sub3A_307 = arith.subi %div3A_286, %sub3A_306 : i32
          %select_n3A_308 = arith.select %and3A_305, %sub3A_307, %div3A_286 : i32
          %jit3A_309 = arith.constant 1 : i32
          %eq3A_310 = arith.constant 0 : i32
          %eq3A_311 = arith.cmpi eq, %jit3A_309, %eq3A_310 : i32
          %jit3A_312 = arith.constant 1 : i32
          %select_n3A_313 = arith.select %eq3A_311, %jit3A_312, %jit3A_309 : i32
          %rem3A_314 = arith.remsi %sub3A_268, %select_n3A_313 : i32
          %ne3A_315 = arith.constant 0 : i32
          %ne3A_316 = arith.cmpi ne, %rem3A_314, %ne3A_315 : i32
          %lt3A_317 = arith.constant 0 : i32
          %lt3A_318 = arith.cmpi slt, %rem3A_314, %lt3A_317 : i32
          %lt3A_319 = arith.constant 0 : i32
          %lt3A_320 = arith.cmpi slt, %select_n3A_313, %lt3A_319 : i32
          %ne3A_321 = arith.xori %lt3A_318, %lt3A_320 : i1
          %and3A_322 = arith.andi %ne3A_321, %ne3A_316 : i1
          %add3A_323 = arith.addi %rem3A_314, %select_n3A_313 : i32
          %select_n3A_324 = arith.select %and3A_322, %add3A_323, %rem3A_314 : i32
          %mul3A_325 = arith.constant 3200 : i32
          %mul3A_326 = arith.muli %select_n3A_324, %mul3A_325 : i32
          %add3A_327 = arith.addi %mul3A_2, %mul3A_326 : i32
          %jit3A_328 = arith.constant 8 : i32
          %div3A_329 = arith.divsi %select_n3A_308, %jit3A_328 : i32
          %sign3A_330 = arith.constant 0 : i32
          %sign3A_331 = arith.cmpi sgt, %select_n3A_308, %sign3A_330 : i32
          %sign3A_332 = arith.extui %sign3A_331 : i1 to i32
          %sign3A_333 = arith.constant 0 : i32
          %sign3A_334 = arith.cmpi slt, %select_n3A_308, %sign3A_333 : i32
          %sign3A_335 = arith.extui %sign3A_334 : i1 to i32
          %sign3A_336 = arith.subi %sign3A_332, %sign3A_335 : i32
          %sign3A_337 = arith.constant 0 : i32
          %sign3A_338 = arith.cmpi sgt, %jit3A_328, %sign3A_337 : i32
          %sign3A_339 = arith.extui %sign3A_338 : i1 to i32
          %sign3A_340 = arith.constant 0 : i32
          %sign3A_341 = arith.cmpi slt, %jit3A_328, %sign3A_340 : i32
          %sign3A_342 = arith.extui %sign3A_341 : i1 to i32
          %sign3A_343 = arith.subi %sign3A_339, %sign3A_342 : i32
          %ne3A_344 = arith.cmpi ne, %sign3A_336, %sign3A_343 : i32
          %rem3A_345 = arith.remsi %select_n3A_308, %jit3A_328 : i32
          %ne3A_346 = arith.constant 0 : i32
          %ne3A_347 = arith.cmpi ne, %rem3A_345, %ne3A_346 : i32
          %and3A_348 = arith.andi %ne3A_344, %ne3A_347 : i1
          %sub3A_349 = arith.constant 1 : i32
          %sub3A_350 = arith.subi %div3A_329, %sub3A_349 : i32
          %select_n3A_351 = arith.select %and3A_348, %sub3A_350, %div3A_329 : i32
          %jit3A_352 = arith.constant 8 : i32
          %eq3A_353 = arith.constant 0 : i32
          %eq3A_354 = arith.cmpi eq, %jit3A_352, %eq3A_353 : i32
          %jit3A_355 = arith.constant 1 : i32
          %select_n3A_356 = arith.select %eq3A_354, %jit3A_355, %jit3A_352 : i32
          %rem3A_357 = arith.remsi %select_n3A_308, %select_n3A_356 : i32
          %ne3A_358 = arith.constant 0 : i32
          %ne3A_359 = arith.cmpi ne, %rem3A_357, %ne3A_358 : i32
          %lt3A_360 = arith.constant 0 : i32
          %lt3A_361 = arith.cmpi slt, %rem3A_357, %lt3A_360 : i32
          %lt3A_362 = arith.constant 0 : i32
          %lt3A_363 = arith.cmpi slt, %select_n3A_356, %lt3A_362 : i32
          %ne3A_364 = arith.xori %lt3A_361, %lt3A_363 : i1
          %and3A_365 = arith.andi %ne3A_364, %ne3A_359 : i1
          %add3A_366 = arith.addi %rem3A_357, %select_n3A_356 : i32
          %select_n3A_367 = arith.select %and3A_365, %add3A_366, %rem3A_357 : i32
          %mul3A_368 = arith.constant 16 : i32
          %mul3A_369 = arith.muli %select_n3A_367, %mul3A_368 : i32
          %dma_wait3A_370 = arith.constant 0 : i32
          %dma_wait3A_371 = arith.constant 0 : i32
          %dma_wait3A_372 = tpu.memref_slice %arg6[%select_n3A_284, %dma_wait3A_370, %dma_wait3A_371] : memref<2x3200x16xf32, #tpu.memory_space<vmem>> -> memref<1x3200x16xf32, #tpu.memory_space<vmem>>
          %dma_wait3A_373 = tpu.memref_squeeze %dma_wait3A_372 : memref<1x3200x16xf32, #tpu.memory_space<vmem>> -> memref<3200x16xf32, #tpu.memory_space<vmem>>
          %dma_wait3A_374 = tpu.memref_slice %arg4[%select_n3A_351, %add3A_327, %mul3A_369] : memref<4x102400x128xf32, #tpu.memory_space<hbm>> -> memref<1x3200x16xf32, #tpu.memory_space<hbm>>
          %dma_wait3A_375 = tpu.memref_squeeze %dma_wait3A_374 : memref<1x3200x16xf32, #tpu.memory_space<hbm>> -> memref<3200x16xf32, #tpu.memory_space<hbm>>
          %dma_wait3A_376 = tpu.memref_slice %arg4[%select_n3A_351, %add3A_327, %mul3A_369] : memref<4x102400x128xf32, #tpu.memory_space<hbm>> -> memref<1x3200x16xf32, #tpu.memory_space<hbm>>
          %dma_wait3A_377 = tpu.memref_squeeze %dma_wait3A_376 : memref<1x3200x16xf32, #tpu.memory_space<hbm>> -> memref<3200x16xf32, #tpu.memory_space<hbm>>
          %dma_wait3A_378 = arith.constant 0 : i32
          %dma_wait3A_379 = arith.constant 0 : i32
          %dma_wait3A_380 = tpu.memref_slice %arg6[%select_n3A_284, %dma_wait3A_378, %dma_wait3A_379] : memref<2x3200x16xf32, #tpu.memory_space<vmem>> -> memref<1x3200x16xf32, #tpu.memory_space<vmem>>
          %dma_wait3A_381 = tpu.memref_squeeze %dma_wait3A_380 : memref<1x3200x16xf32, #tpu.memory_space<vmem>> -> memref<3200x16xf32, #tpu.memory_space<vmem>>
          tpu.wait_dma2 semaphore(%arg8 : memref<!tpu.dma_semaphore, #tpu.memory_space<semaphore_mem>>) src(%dma_wait3A_381 : memref<3200x16xf32, #tpu.memory_space<vmem>>) dst(%dma_wait3A_377 : memref<3200x16xf32, #tpu.memory_space<hbm>>)
        } else {
        }
        %add3A_223 = arith.constant 1 : i32
        %add3A_224 = arith.addi %scan3A_61, %add3A_223 : i32
        %jit3A_225 = arith.constant 2 : i32
        %eq3A_226 = arith.constant 0 : i32
        %eq3A_227 = arith.cmpi eq, %jit3A_225, %eq3A_226 : i32
        %jit3A_228 = arith.constant 1 : i32
        %select_n3A_229 = arith.select %eq3A_227, %jit3A_228, %jit3A_225 : i32
        %rem3A_230 = arith.remsi %add3A_224, %select_n3A_229 : i32
        %ne3A_231 = arith.constant 0 : i32
        %ne3A_232 = arith.cmpi ne, %rem3A_230, %ne3A_231 : i32
        %lt3A_233 = arith.constant 0 : i32
        %lt3A_234 = arith.cmpi slt, %rem3A_230, %lt3A_233 : i32
        %lt3A_235 = arith.constant 0 : i32
        %lt3A_236 = arith.cmpi slt, %select_n3A_229, %lt3A_235 : i32
        %ne3A_237 = arith.xori %lt3A_234, %lt3A_236 : i1
        %and3A_238 = arith.andi %ne3A_237, %ne3A_232 : i1
        %add3A_239 = arith.addi %rem3A_230, %select_n3A_229 : i32
        %select_n3A_240 = arith.select %and3A_238, %add3A_239, %rem3A_230 : i32
        %jit3A_241 = arith.constant 2 : i32
        %eq3A_242 = arith.constant 0 : i32
        %eq3A_243 = arith.cmpi eq, %jit3A_241, %eq3A_242 : i32
        %jit3A_244 = arith.constant 1 : i32
        %select_n3A_245 = arith.select %eq3A_243, %jit3A_244, %jit3A_241 : i32
        %rem3A_246 = arith.remsi %add3A_224, %select_n3A_245 : i32
        %ne3A_247 = arith.constant 0 : i32
        %ne3A_248 = arith.cmpi ne, %rem3A_246, %ne3A_247 : i32
        %lt3A_249 = arith.constant 0 : i32
        %lt3A_250 = arith.cmpi slt, %rem3A_246, %lt3A_249 : i32
        %lt3A_251 = arith.constant 0 : i32
        %lt3A_252 = arith.cmpi slt, %select_n3A_245, %lt3A_251 : i32
        %ne3A_253 = arith.xori %lt3A_250, %lt3A_252 : i1
        %and3A_254 = arith.andi %ne3A_253, %ne3A_248 : i1
        %add3A_255 = arith.addi %rem3A_246, %select_n3A_245 : i32
        %select_n3A_256 = arith.select %and3A_254, %add3A_255, %rem3A_246 : i32
        %dma_start3A_257 = arith.constant 0 : i32
        %dma_start3A_258 = arith.constant 0 : i32
        %dma_start3A_259 = tpu.memref_slice %arg6[%select_n3A_256, %dma_start3A_257, %dma_start3A_258] : memref<2x3200x16xf32, #tpu.memory_space<vmem>> -> memref<1x3200x16xf32, #tpu.memory_space<vmem>>
        %dma_start3A_260 = tpu.memref_squeeze %dma_start3A_259 : memref<1x3200x16xf32, #tpu.memory_space<vmem>> -> memref<3200x16xf32, #tpu.memory_space<vmem>>
        %dma_start3A_261 = arith.constant 0 : i32
        %dma_start3A_262 = tpu.memref_slice %arg5[%select_n3A_240, %dma_start3A_261] : memref<2x3200xi32, #tpu.memory_space<vmem>> -> memref<1x3200xi32, #tpu.memory_space<vmem>>
        %dma_start3A_263 = tpu.memref_squeeze %dma_start3A_262 : memref<1x3200xi32, #tpu.memory_space<vmem>> -> memref<3200xi32, #tpu.memory_space<vmem>>
        %dma_start3A_264 = arith.constant 0 : i32
        %dma_start3A_265 = arith.constant 0 : i32
        %dma_start3A_266 = tpu.memref_slice %arg3[%dma_start3A_264, %dma_start3A_265] : memref<3276800x16xf32, #tpu.memory_space<hbm>> -> memref<3276800x16xf32, #tpu.memory_space<hbm>>
        tpu.enqueue_indirect_dma source(%dma_start3A_266 : memref<3276800x16xf32, #tpu.memory_space<hbm>>) target(%dma_start3A_260 : memref<3200x16xf32, #tpu.memory_space<vmem>>) offsets(%dma_start3A_263 : memref<3200xi32, #tpu.memory_space<vmem>>) semaphore(%arg7 : memref<!tpu.dma_semaphore, #tpu.memory_space<semaphore_mem>>)
      } else {
      }
    }
    %scan3A_25 = arith.constant 26 : i32
    %add3A_26 = arith.constant 0 : i32
    %add3A_27 = arith.addi %mul3A_2, %add3A_26 : i32
    %dma_wait3A = arith.constant 0 : i32
    %dma_wait3A_28 = arith.constant 3 : i32
    %dma_wait3A_29 = arith.constant 0 : i32
    %dma_wait3A_30 = arith.constant 0 : i32
    %dma_wait3A_31 = tpu.memref_slice %arg6[%dma_wait3A, %dma_wait3A_29, %dma_wait3A_30] : memref<2x3200x16xf32, #tpu.memory_space<vmem>> -> memref<1x3200x16xf32, #tpu.memory_space<vmem>>
    %dma_wait3A_32 = tpu.memref_squeeze %dma_wait3A_31 : memref<1x3200x16xf32, #tpu.memory_space<vmem>> -> memref<3200x16xf32, #tpu.memory_space<vmem>>
    %dma_wait3A_33 = arith.constant 0 : i32
    %dma_wait3A_34 = tpu.memref_slice %arg4[%dma_wait3A_28, %add3A_27, %dma_wait3A_33] : memref<4x102400x128xf32, #tpu.memory_space<hbm>> -> memref<1x3200x16xf32, #tpu.memory_space<hbm>>
    %dma_wait3A_35 = tpu.memref_squeeze %dma_wait3A_34 : memref<1x3200x16xf32, #tpu.memory_space<hbm>> -> memref<3200x16xf32, #tpu.memory_space<hbm>>
    %dma_wait3A_36 = arith.constant 0 : i32
    %dma_wait3A_37 = tpu.memref_slice %arg4[%dma_wait3A_28, %add3A_27, %dma_wait3A_36] : memref<4x102400x128xf32, #tpu.memory_space<hbm>> -> memref<1x3200x16xf32, #tpu.memory_space<hbm>>
    %dma_wait3A_38 = tpu.memref_squeeze %dma_wait3A_37 : memref<1x3200x16xf32, #tpu.memory_space<hbm>> -> memref<3200x16xf32, #tpu.memory_space<hbm>>
    %dma_wait3A_39 = arith.constant 0 : i32
    %dma_wait3A_40 = arith.constant 0 : i32
    %dma_wait3A_41 = tpu.memref_slice %arg6[%dma_wait3A, %dma_wait3A_39, %dma_wait3A_40] : memref<2x3200x16xf32, #tpu.memory_space<vmem>> -> memref<1x3200x16xf32, #tpu.memory_space<vmem>>
    %dma_wait3A_42 = tpu.memref_squeeze %dma_wait3A_41 : memref<1x3200x16xf32, #tpu.memory_space<vmem>> -> memref<3200x16xf32, #tpu.memory_space<vmem>>
    tpu.wait_dma2 semaphore(%arg8 : memref<!tpu.dma_semaphore, #tpu.memory_space<semaphore_mem>>) src(%dma_wait3A_42 : memref<3200x16xf32, #tpu.memory_space<vmem>>) dst(%dma_wait3A_38 : memref<3200x16xf32, #tpu.memory_space<hbm>>)
    %add3A_43 = arith.constant 0 : i32
    %add3A_44 = arith.addi %mul3A_2, %add3A_43 : i32
    %dma_wait3A_45 = arith.constant 1 : i32
    %dma_wait3A_46 = arith.constant 3 : i32
    %dma_wait3A_47 = arith.constant 0 : i32
    %dma_wait3A_48 = arith.constant 0 : i32
    %dma_wait3A_49 = tpu.memref_slice %arg6[%dma_wait3A_45, %dma_wait3A_47, %dma_wait3A_48] : memref<2x3200x16xf32, #tpu.memory_space<vmem>> -> memref<1x3200x16xf32, #tpu.memory_space<vmem>>
    %dma_wait3A_50 = tpu.memref_squeeze %dma_wait3A_49 : memref<1x3200x16xf32, #tpu.memory_space<vmem>> -> memref<3200x16xf32, #tpu.memory_space<vmem>>
    %dma_wait3A_51 = arith.constant 16 : i32
    %dma_wait3A_52 = tpu.memref_slice %arg4[%dma_wait3A_46, %add3A_44, %dma_wait3A_51] : memref<4x102400x128xf32, #tpu.memory_space<hbm>> -> memref<1x3200x16xf32, #tpu.memory_space<hbm>>
    %dma_wait3A_53 = tpu.memref_squeeze %dma_wait3A_52 : memref<1x3200x16xf32, #tpu.memory_space<hbm>> -> memref<3200x16xf32, #tpu.memory_space<hbm>>
    %dma_wait3A_54 = arith.constant 16 : i32
    %dma_wait3A_55 = tpu.memref_slice %arg4[%dma_wait3A_46, %add3A_44, %dma_wait3A_54] : memref<4x102400x128xf32, #tpu.memory_space<hbm>> -> memref<1x3200x16xf32, #tpu.memory_space<hbm>>
    %dma_wait3A_56 = tpu.memref_squeeze %dma_wait3A_55 : memref<1x3200x16xf32, #tpu.memory_space<hbm>> -> memref<3200x16xf32, #tpu.memory_space<hbm>>
    %dma_wait3A_57 = arith.constant 0 : i32
    %dma_wait3A_58 = arith.constant 0 : i32
    %dma_wait3A_59 = tpu.memref_slice %arg6[%dma_wait3A_45, %dma_wait3A_57, %dma_wait3A_58] : memref<2x3200x16xf32, #tpu.memory_space<vmem>> -> memref<1x3200x16xf32, #tpu.memory_space<vmem>>
    %dma_wait3A_60 = tpu.memref_squeeze %dma_wait3A_59 : memref<1x3200x16xf32, #tpu.memory_space<vmem>> -> memref<3200x16xf32, #tpu.memory_space<vmem>>
    tpu.wait_dma2 semaphore(%arg8 : memref<!tpu.dma_semaphore, #tpu.memory_space<semaphore_mem>>) src(%dma_wait3A_60 : memref<3200x16xf32, #tpu.memory_space<vmem>>) dst(%dma_wait3A_56 : memref<3200x16xf32, #tpu.memory_space<hbm>>)
    return
  }
}

module attributes {stable_mosaic.version = 14 : i64} {
  func.func @body(%arg0: i32, %arg1: i32, %arg2: memref<128x4096xf32, #tpu.memory_space<vmem>>, %arg3: memref<4096x128xf32, #tpu.memory_space<vmem>>) attributes {dimension_semantics = [#tpu.dimension_semantics<arbitrary>, #tpu.dimension_semantics<arbitrary>], iteration_bounds = array<i64: 4, 25>, scalar_prefetch = 0 : i64, scratch_operands = 0 : i64, tpu.core_type = #tpu.core_type<tc>, window_params = [{transform_indices = @transform_0, window_bounds = array<i64: 128, 4096>}, {transform_indices = @transform_1, window_bounds = array<i64: 4096, 128>}]} {
    %get3A = arith.constant 0 : index
    %get3A_0 = arith.constant 0 : index
    %get3A_1 = vector.load %arg2[%get3A, %get3A_0] : memref<128x4096xf32, #tpu.memory_space<vmem>>, vector<128x4096xf32>
    %transpose3A = tpu.transpose %get3A_1, [1, 0] : vector<128x4096xf32> -> vector<4096x128xf32>
    %swap3A = arith.constant 0 : index
    %swap3A_2 = arith.constant 0 : index
    %swap3A_3 = vector.load %arg3[%swap3A, %swap3A_2] : memref<4096x128xf32, #tpu.memory_space<vmem>>, vector<4096x128xf32>
    tpu.vector_store %arg3[%swap3A, %swap3A_2], %transpose3A {strides = array<i32>} : memref<4096x128xf32, #tpu.memory_space<vmem>>, vector<4096x128xf32>,
    return
  }
  func.func @transform_0(%arg0: i32, %arg1: i32) -> (i32, i32) {
    %c0_i32 = arith.constant 0 : i32
    return %arg0, %arg1 : i32, i32
  }
  func.func @transform_1(%arg0: i32, %arg1: i32) -> (i32, i32) {
    %mul3A = arith.constant 25 : i32
    %mul3A_0 = arith.muli %arg0, %mul3A : i32
    %add3A = arith.addi %mul3A_0, %arg1 : i32
    %c0_i32 = arith.constant 0 : i32
    %c0_i32_1 = arith.constant 0 : i32
    return %add3A, %c0_i32 : i32, i32
  }
}

module attributes {stable_mosaic.version = 14 : i64} {
  func.func @body(%arg0: i32, %arg1: i32, %arg2: memref<4x2048x128xf32, #tpu.memory_space<vmem>>, %arg3: memref<1x2048x76xf32, #tpu.memory_space<vmem>>, %arg4: memref<76x50xf32, #tpu.memory_space<vmem>>, %arg5: memref<1x50xf32, #tpu.memory_space<vmem>>, %arg6: memref<512x128xf32, #tpu.memory_space<vmem>>, %arg7: memref<50x128xf32, #tpu.memory_space<vmem>>, %arg8: memref<1x128xf32, #tpu.memory_space<vmem>>, %arg9: memref<2048x128xf32, #tpu.memory_space<vmem>>) attributes {dimension_semantics = [#tpu.dimension_semantics<arbitrary>, #tpu.dimension_semantics<arbitrary>], iteration_bounds = array<i64: 25, 2>, scalar_prefetch = 0 : i64, scratch_operands = 0 : i64, tpu.core_type = #tpu.core_type<tc>, window_params = [{transform_indices = @transform_0, window_bounds = array<i64: 4, 2048, 128>}, {transform_indices = @transform_1, window_bounds = array<i64: 1, 2048, 76>}, {pipeline_mode = #tpu.pipeline_mode<synchronous>, transform_indices = @transform_2, window_bounds = array<i64: 76, 50>}, {pipeline_mode = #tpu.pipeline_mode<synchronous>, transform_indices = @transform_3, window_bounds = array<i64: 1, 50>}, {pipeline_mode = #tpu.pipeline_mode<synchronous>, transform_indices = @transform_4, window_bounds = array<i64: 512, 128>}, {pipeline_mode = #tpu.pipeline_mode<synchronous>, transform_indices = @transform_5, window_bounds = array<i64: 50, 128>}, {pipeline_mode = #tpu.pipeline_mode<synchronous>, transform_indices = @transform_6, window_bounds = array<i64: 1, 128>}, {transform_indices = @transform_7, window_bounds = array<i64: 2048, 128>}]} {
    %iota3A = tpu.iota {dimensions = array<i32: 1>} : vector<2048x128xi32>
    %lt3A = arith.constant 32 : i32
    %lt3A_0 = vector.broadcast %lt3A : i32 to vector<2048x128xi32>
    %lt3A_1 = arith.cmpi slt, %iota3A, %lt3A_0 : vector<2048x128xi32>
    %get3A = arith.constant 3 : index
    %get3A_2 = arith.constant 0 : index
    %get3A_3 = arith.constant 0 : index
    %get3A_4 = vector.load %arg2[%get3A, %get3A_2, %get3A_3] : memref<4x2048x128xf32, #tpu.memory_space<vmem>>, vector<1x2048x128xf32>
    %get3A_5 = vector.shape_cast %get3A_4 : vector<1x2048x128xf32> to vector<2048x128xf32>
    %jit3A = arith.constant 0.000000e+00 : f32
    %broadcast_in_dim3A = vector.broadcast %jit3A : f32 to vector<2048x128xf32>
    %select_n3A = arith.select %lt3A_1, %get3A_5, %broadcast_in_dim3A : vector<2048x128xi1>, vector<2048x128xf32>
    %get3A_6 = arith.constant 0 : index
    %get3A_7 = arith.constant 0 : index
    %get3A_8 = arith.constant 0 : index
    %get3A_9 = vector.load %arg2[%get3A_6, %get3A_7, %get3A_8] : memref<4x2048x128xf32, #tpu.memory_space<vmem>>, vector<1x2048x128xf32>
    %get3A_10 = vector.shape_cast %get3A_9 : vector<1x2048x128xf32> to vector<2048x128xf32>
    %get3A_11 = arith.constant 1 : index
    %get3A_12 = arith.constant 0 : index
    %get3A_13 = arith.constant 0 : index
    %get3A_14 = vector.load %arg2[%get3A_11, %get3A_12, %get3A_13] : memref<4x2048x128xf32, #tpu.memory_space<vmem>>, vector<1x2048x128xf32>
    %get3A_15 = vector.shape_cast %get3A_14 : vector<1x2048x128xf32> to vector<2048x128xf32>
    %get3A_16 = arith.constant 2 : index
    %get3A_17 = arith.constant 0 : index
    %get3A_18 = arith.constant 0 : index
    %get3A_19 = vector.load %arg2[%get3A_16, %get3A_17, %get3A_18] : memref<4x2048x128xf32, #tpu.memory_space<vmem>>, vector<1x2048x128xf32>
    %get3A_20 = vector.shape_cast %get3A_19 : vector<1x2048x128xf32> to vector<2048x128xf32>
    %concatenate3A = tpu.concatenate %get3A_10, %get3A_15, %get3A_20, %select_n3A in 1 : vector<2048x128xf32>, vector<2048x128xf32>, vector<2048x128xf32>, vector<2048x128xf32> -> vector<2048x512xf32>
    %get3A_21 = arith.constant 0 : index
    %get3A_22 = arith.constant 0 : index
    %get3A_23 = arith.constant 0 : index
    %get3A_24 = vector.load %arg3[%get3A_21, %get3A_22, %get3A_23] : memref<1x2048x76xf32, #tpu.memory_space<vmem>>, vector<1x2048x76xf32>
    %get3A_25 = vector.shape_cast %get3A_24 : vector<1x2048x76xf32> to vector<2048x76xf32>
    %get3A_26 = arith.constant 0 : index
    %get3A_27 = arith.constant 0 : index
    %get3A_28 = vector.load %arg4[%get3A_26, %get3A_27] : memref<76x50xf32, #tpu.memory_space<vmem>>, vector<76x50xf32>
    %dot_general3A = arith.constant dense<0.000000e+00> : vector<2048x50xf32>
    %dot_general3A_29 = tpu.matmul %get3A_25, %get3A_28, %dot_general3A {dimension_numbers = #tpu.dot_dimension_numbers<[1], [0], [0], [1], [0, 0, 1, 1], [], []>, transpose_lhs_hint = false} : vector<2048x76xf32>, vector<76x50xf32>, vector<2048x50xf32> -> vector<2048x50xf32>
    %get3A_30 = arith.constant 0 : index
    %get3A_31 = arith.constant 0 : index
    %get3A_32 = vector.load %arg5[%get3A_30, %get3A_31] : memref<1x50xf32, #tpu.memory_space<vmem>>, vector<1x50xf32>
    %add3A = vector.broadcast %get3A_32 : vector<1x50xf32> to vector<2048x50xf32>
    %add3A_33 = arith.addf %dot_general3A_29, %add3A : vector<2048x50xf32>
    %get3A_34 = arith.constant 0 : index
    %get3A_35 = arith.constant 0 : index
    %get3A_36 = vector.load %arg6[%get3A_34, %get3A_35] : memref<512x128xf32, #tpu.memory_space<vmem>>, vector<512x128xf32>
    %dot_general3A_37 = arith.constant dense<0.000000e+00> : vector<2048x128xf32>
    %dot_general3A_38 = tpu.matmul %concatenate3A, %get3A_36, %dot_general3A_37 {dimension_numbers = #tpu.dot_dimension_numbers<[1], [0], [0], [1], [0, 0, 1, 1], [], []>, transpose_lhs_hint = false} : vector<2048x512xf32>, vector<512x128xf32>, vector<2048x128xf32> -> vector<2048x128xf32>
    %get3A_39 = arith.constant 0 : index
    %get3A_40 = arith.constant 0 : index
    %get3A_41 = vector.load %arg7[%get3A_39, %get3A_40] : memref<50x128xf32, #tpu.memory_space<vmem>>, vector<50x128xf32>
    %dot_general3A_42 = arith.constant dense<0.000000e+00> : vector<2048x128xf32>
    %dot_general3A_43 = tpu.matmul %add3A_33, %get3A_41, %dot_general3A_42 {dimension_numbers = #tpu.dot_dimension_numbers<[1], [0], [0], [1], [0, 0, 1, 1], [], []>, transpose_lhs_hint = false} : vector<2048x50xf32>, vector<50x128xf32>, vector<2048x128xf32> -> vector<2048x128xf32>
    %add3A_44 = arith.addf %dot_general3A_38, %dot_general3A_43 : vector<2048x128xf32>
    %get3A_45 = arith.constant 0 : index
    %get3A_46 = arith.constant 0 : index
    %get3A_47 = vector.load %arg8[%get3A_45, %get3A_46] : memref<1x128xf32, #tpu.memory_space<vmem>>, vector<1x128xf32>
    %add3A_48 = vector.broadcast %get3A_47 : vector<1x128xf32> to vector<2048x128xf32>
    %add3A_49 = arith.addf %add3A_44, %add3A_48 : vector<2048x128xf32>
    %swap3A = arith.constant 0 : index
    %swap3A_50 = arith.constant 0 : index
    %swap3A_51 = vector.load %arg9[%swap3A, %swap3A_50] : memref<2048x128xf32, #tpu.memory_space<vmem>>, vector<2048x128xf32>
    tpu.vector_store %arg9[%swap3A, %swap3A_50], %add3A_49 {strides = array<i32>} : memref<2048x128xf32, #tpu.memory_space<vmem>>, vector<2048x128xf32>,
    return
  }
  func.func @transform_0(%arg0: i32, %arg1: i32) -> (i32, i32, i32) {
    %mul3A = arith.constant 2 : i32
    %mul3A_0 = arith.muli %arg0, %mul3A : i32
    %add3A = arith.addi %mul3A_0, %arg1 : i32
    %c0_i32 = arith.constant 0 : i32
    %c0_i32_1 = arith.constant 0 : i32
    %c0_i32_2 = arith.constant 0 : i32
    return %c0_i32, %add3A, %c0_i32_1 : i32, i32, i32
  }
  func.func @transform_1(%arg0: i32, %arg1: i32) -> (i32, i32, i32) {
    %add3A = arith.constant 0 : i32
    %add3A_0 = arith.addi %add3A, %arg0 : i32
    %c0_i32 = arith.constant 0 : i32
    %c0_i32_1 = arith.constant 0 : i32
    return %add3A_0, %arg1, %c0_i32 : i32, i32, i32
  }
  func.func @transform_2(%arg0: i32, %arg1: i32) -> (i32, i32) {
    %c0_i32 = arith.constant 0 : i32
    %c0_i32_0 = arith.constant 0 : i32
    %c0_i32_1 = arith.constant 0 : i32
    return %c0_i32, %c0_i32_0 : i32, i32
  }
  func.func @transform_3(%arg0: i32, %arg1: i32) -> (i32, i32) {
    %c0_i32 = arith.constant 0 : i32
    %c0_i32_0 = arith.constant 0 : i32
    %c0_i32_1 = arith.constant 0 : i32
    return %c0_i32, %c0_i32_0 : i32, i32
  }
  func.func @transform_4(%arg0: i32, %arg1: i32) -> (i32, i32) {
    %c0_i32 = arith.constant 0 : i32
    %c0_i32_0 = arith.constant 0 : i32
    %c0_i32_1 = arith.constant 0 : i32
    return %c0_i32, %c0_i32_0 : i32, i32
  }
  func.func @transform_5(%arg0: i32, %arg1: i32) -> (i32, i32) {
    %c0_i32 = arith.constant 0 : i32
    %c0_i32_0 = arith.constant 0 : i32
    %c0_i32_1 = arith.constant 0 : i32
    return %c0_i32, %c0_i32_0 : i32, i32
  }
  func.func @transform_6(%arg0: i32, %arg1: i32) -> (i32, i32) {
    %c0_i32 = arith.constant 0 : i32
    %c0_i32_0 = arith.constant 0 : i32
    %c0_i32_1 = arith.constant 0 : i32
    return %c0_i32, %c0_i32_0 : i32, i32
  }
  func.func @transform_7(%arg0: i32, %arg1: i32) -> (i32, i32) {
    %add3A = arith.constant 0 : i32
    %add3A_0 = arith.addi %add3A, %arg0 : i32
    %mul3A = arith.constant 2 : i32
    %mul3A_1 = arith.muli %add3A_0, %mul3A : i32
    %add3A_2 = arith.addi %mul3A_1, %arg1 : i32
    %c0_i32 = arith.constant 0 : i32
    %c0_i32_3 = arith.constant 0 : i32
    return %add3A_2, %c0_i32 : i32, i32
  }
}

module attributes {stable_mosaic.version = 14 : i64} {
  func.func @body(%arg0: i32, %arg1: i32, %arg2: memref<4x2048x128xf32, #tpu.memory_space<vmem>>, %arg3: memref<1x2048x76xf32, #tpu.memory_space<vmem>>, %arg4: memref<76x50xf32, #tpu.memory_space<vmem>>, %arg5: memref<1x50xf32, #tpu.memory_space<vmem>>, %arg6: memref<512x128xf32, #tpu.memory_space<vmem>>, %arg7: memref<50x128xf32, #tpu.memory_space<vmem>>, %arg8: memref<1x128xf32, #tpu.memory_space<vmem>>, %arg9: memref<204800x128xf32, #tpu.memory_space<any>>, %arg10: memref<2048x128xf32, #tpu.memory_space<vmem>>) attributes {dimension_semantics = [#tpu.dimension_semantics<arbitrary>, #tpu.dimension_semantics<arbitrary>], iteration_bounds = array<i64: 25, 2>, scalar_prefetch = 0 : i64, scratch_operands = 0 : i64, tpu.core_type = #tpu.core_type<tc>, window_params = [{transform_indices = @transform_0, window_bounds = array<i64: 4, 2048, 128>}, {transform_indices = @transform_1, window_bounds = array<i64: 1, 2048, 76>}, {pipeline_mode = #tpu.pipeline_mode<synchronous>, transform_indices = @transform_2, window_bounds = array<i64: 76, 50>}, {pipeline_mode = #tpu.pipeline_mode<synchronous>, transform_indices = @transform_3, window_bounds = array<i64: 1, 50>}, {pipeline_mode = #tpu.pipeline_mode<synchronous>, transform_indices = @transform_4, window_bounds = array<i64: 512, 128>}, {pipeline_mode = #tpu.pipeline_mode<synchronous>, transform_indices = @transform_5, window_bounds = array<i64: 50, 128>}, {pipeline_mode = #tpu.pipeline_mode<synchronous>, transform_indices = @transform_6, window_bounds = array<i64: 1, 128>}, {}, {transform_indices = @transform_8, window_bounds = array<i64: 2048, 128>}]} {
    %iota3A = tpu.iota {dimensions = array<i32: 1>} : vector<2048x128xi32>
    %lt3A = arith.constant 32 : i32
    %lt3A_0 = vector.broadcast %lt3A : i32 to vector<2048x128xi32>
    %lt3A_1 = arith.cmpi slt, %iota3A, %lt3A_0 : vector<2048x128xi32>
    %get3A = arith.constant 3 : index
    %get3A_2 = arith.constant 0 : index
    %get3A_3 = arith.constant 0 : index
    %get3A_4 = vector.load %arg2[%get3A, %get3A_2, %get3A_3] : memref<4x2048x128xf32, #tpu.memory_space<vmem>>, vector<1x2048x128xf32>
    %get3A_5 = vector.shape_cast %get3A_4 : vector<1x2048x128xf32> to vector<2048x128xf32>
    %jit3A = arith.constant 0.000000e+00 : f32
    %broadcast_in_dim3A = vector.broadcast %jit3A : f32 to vector<2048x128xf32>
    %select_n3A = arith.select %lt3A_1, %get3A_5, %broadcast_in_dim3A : vector<2048x128xi1>, vector<2048x128xf32>
    %get3A_6 = arith.constant 0 : index
    %get3A_7 = arith.constant 0 : index
    %get3A_8 = arith.constant 0 : index
    %get3A_9 = vector.load %arg2[%get3A_6, %get3A_7, %get3A_8] : memref<4x2048x128xf32, #tpu.memory_space<vmem>>, vector<1x2048x128xf32>
    %get3A_10 = vector.shape_cast %get3A_9 : vector<1x2048x128xf32> to vector<2048x128xf32>
    %get3A_11 = arith.constant 1 : index
    %get3A_12 = arith.constant 0 : index
    %get3A_13 = arith.constant 0 : index
    %get3A_14 = vector.load %arg2[%get3A_11, %get3A_12, %get3A_13] : memref<4x2048x128xf32, #tpu.memory_space<vmem>>, vector<1x2048x128xf32>
    %get3A_15 = vector.shape_cast %get3A_14 : vector<1x2048x128xf32> to vector<2048x128xf32>
    %get3A_16 = arith.constant 2 : index
    %get3A_17 = arith.constant 0 : index
    %get3A_18 = arith.constant 0 : index
    %get3A_19 = vector.load %arg2[%get3A_16, %get3A_17, %get3A_18] : memref<4x2048x128xf32, #tpu.memory_space<vmem>>, vector<1x2048x128xf32>
    %get3A_20 = vector.shape_cast %get3A_19 : vector<1x2048x128xf32> to vector<2048x128xf32>
    %concatenate3A = tpu.concatenate %get3A_10, %get3A_15, %get3A_20, %select_n3A in 1 : vector<2048x128xf32>, vector<2048x128xf32>, vector<2048x128xf32>, vector<2048x128xf32> -> vector<2048x512xf32>
    %get3A_21 = arith.constant 0 : index
    %get3A_22 = arith.constant 0 : index
    %get3A_23 = arith.constant 0 : index
    %get3A_24 = vector.load %arg3[%get3A_21, %get3A_22, %get3A_23] : memref<1x2048x76xf32, #tpu.memory_space<vmem>>, vector<1x2048x76xf32>
    %get3A_25 = vector.shape_cast %get3A_24 : vector<1x2048x76xf32> to vector<2048x76xf32>
    %get3A_26 = arith.constant 0 : index
    %get3A_27 = arith.constant 0 : index
    %get3A_28 = vector.load %arg4[%get3A_26, %get3A_27] : memref<76x50xf32, #tpu.memory_space<vmem>>, vector<76x50xf32>
    %dot_general3A = arith.constant dense<0.000000e+00> : vector<2048x50xf32>
    %dot_general3A_29 = tpu.matmul %get3A_25, %get3A_28, %dot_general3A {dimension_numbers = #tpu.dot_dimension_numbers<[1], [0], [0], [1], [0, 0, 1, 1], [], []>, transpose_lhs_hint = false} : vector<2048x76xf32>, vector<76x50xf32>, vector<2048x50xf32> -> vector<2048x50xf32>
    %get3A_30 = arith.constant 0 : index
    %get3A_31 = arith.constant 0 : index
    %get3A_32 = vector.load %arg5[%get3A_30, %get3A_31] : memref<1x50xf32, #tpu.memory_space<vmem>>, vector<1x50xf32>
    %add3A = vector.broadcast %get3A_32 : vector<1x50xf32> to vector<2048x50xf32>
    %add3A_33 = arith.addf %dot_general3A_29, %add3A : vector<2048x50xf32>
    %get3A_34 = arith.constant 0 : index
    %get3A_35 = arith.constant 0 : index
    %get3A_36 = vector.load %arg6[%get3A_34, %get3A_35] : memref<512x128xf32, #tpu.memory_space<vmem>>, vector<512x128xf32>
    %dot_general3A_37 = arith.constant dense<0.000000e+00> : vector<2048x128xf32>
    %dot_general3A_38 = tpu.matmul %concatenate3A, %get3A_36, %dot_general3A_37 {dimension_numbers = #tpu.dot_dimension_numbers<[1], [0], [0], [1], [0, 0, 1, 1], [], []>, transpose_lhs_hint = false} : vector<2048x512xf32>, vector<512x128xf32>, vector<2048x128xf32> -> vector<2048x128xf32>
    %get3A_39 = arith.constant 0 : index
    %get3A_40 = arith.constant 0 : index
    %get3A_41 = vector.load %arg7[%get3A_39, %get3A_40] : memref<50x128xf32, #tpu.memory_space<vmem>>, vector<50x128xf32>
    %dot_general3A_42 = arith.constant dense<0.000000e+00> : vector<2048x128xf32>
    %dot_general3A_43 = tpu.matmul %add3A_33, %get3A_41, %dot_general3A_42 {dimension_numbers = #tpu.dot_dimension_numbers<[1], [0], [0], [1], [0, 0, 1, 1], [], []>, transpose_lhs_hint = false} : vector<2048x50xf32>, vector<50x128xf32>, vector<2048x128xf32> -> vector<2048x128xf32>
    %add3A_44 = arith.addf %dot_general3A_38, %dot_general3A_43 : vector<2048x128xf32>
    %get3A_45 = arith.constant 0 : index
    %get3A_46 = arith.constant 0 : index
    %get3A_47 = vector.load %arg8[%get3A_45, %get3A_46] : memref<1x128xf32, #tpu.memory_space<vmem>>, vector<1x128xf32>
    %add3A_48 = vector.broadcast %get3A_47 : vector<1x128xf32> to vector<2048x128xf32>
    %add3A_49 = arith.addf %add3A_44, %add3A_48 : vector<2048x128xf32>
    %swap3A = arith.constant 0 : index
    %swap3A_50 = arith.constant 0 : index
    %swap3A_51 = vector.load %arg10[%swap3A, %swap3A_50] : memref<2048x128xf32, #tpu.memory_space<vmem>>, vector<2048x128xf32>
    tpu.vector_store %arg10[%swap3A, %swap3A_50], %add3A_49 {strides = array<i32>} : memref<2048x128xf32, #tpu.memory_space<vmem>>, vector<2048x128xf32>,
    return
  }
  func.func @transform_0(%arg0: i32, %arg1: i32) -> (i32, i32, i32) {
    %mul3A = arith.constant 2 : i32
    %mul3A_0 = arith.muli %arg0, %mul3A : i32
    %add3A = arith.addi %mul3A_0, %arg1 : i32
    %c0_i32 = arith.constant 0 : i32
    %c0_i32_1 = arith.constant 0 : i32
    %c0_i32_2 = arith.constant 0 : i32
    return %c0_i32, %add3A, %c0_i32_1 : i32, i32, i32
  }
  func.func @transform_1(%arg0: i32, %arg1: i32) -> (i32, i32, i32) {
    %add3A = arith.constant 25 : i32
    %add3A_0 = arith.addi %add3A, %arg0 : i32
    %c0_i32 = arith.constant 0 : i32
    %c0_i32_1 = arith.constant 0 : i32
    return %add3A_0, %arg1, %c0_i32 : i32, i32, i32
  }
  func.func @transform_2(%arg0: i32, %arg1: i32) -> (i32, i32) {
    %c0_i32 = arith.constant 0 : i32
    %c0_i32_0 = arith.constant 0 : i32
    %c0_i32_1 = arith.constant 0 : i32
    return %c0_i32, %c0_i32_0 : i32, i32
  }
  func.func @transform_3(%arg0: i32, %arg1: i32) -> (i32, i32) {
    %c0_i32 = arith.constant 0 : i32
    %c0_i32_0 = arith.constant 0 : i32
    %c0_i32_1 = arith.constant 0 : i32
    return %c0_i32, %c0_i32_0 : i32, i32
  }
  func.func @transform_4(%arg0: i32, %arg1: i32) -> (i32, i32) {
    %c0_i32 = arith.constant 0 : i32
    %c0_i32_0 = arith.constant 0 : i32
    %c0_i32_1 = arith.constant 0 : i32
    return %c0_i32, %c0_i32_0 : i32, i32
  }
  func.func @transform_5(%arg0: i32, %arg1: i32) -> (i32, i32) {
    %c0_i32 = arith.constant 0 : i32
    %c0_i32_0 = arith.constant 0 : i32
    %c0_i32_1 = arith.constant 0 : i32
    return %c0_i32, %c0_i32_0 : i32, i32
  }
  func.func @transform_6(%arg0: i32, %arg1: i32) -> (i32, i32) {
    %c0_i32 = arith.constant 0 : i32
    %c0_i32_0 = arith.constant 0 : i32
    %c0_i32_1 = arith.constant 0 : i32
    return %c0_i32, %c0_i32_0 : i32, i32
  }
  func.func @transform_8(%arg0: i32, %arg1: i32) -> (i32, i32) {
    %add3A = arith.constant 25 : i32
    %add3A_0 = arith.addi %add3A, %arg0 : i32
    %mul3A = arith.constant 2 : i32
    %mul3A_1 = arith.muli %add3A_0, %mul3A : i32
    %add3A_2 = arith.addi %mul3A_1, %arg1 : i32
    %c0_i32 = arith.constant 0 : i32
    %c0_i32_3 = arith.constant 0 : i32
    return %add3A_2, %c0_i32 : i32, i32
  }
}

</mosaic_0001>

<sc_bundles>
// kernel: kernel.10.cloned.1.call-start
scs
__scs_entry_jumppad:
0x0: {  	(pc) =	sbr.rel $0x88, $3  }
0x1: {  	(tag) =	ssettag $0x0;
	lr =	simm.s32 $0x1  }
0x2: {  	[smem:$0x3F9B] =	sst lr;
	_ =	strace $0xD0000000  }
0x3: {  	_ = 	snop  }
0x4: {  	_ = 	snop  }
0x5: {  	_ = 	snop  }
0x6: {  	_ = 	snop  }
0x7: {  	_ = 	snop  }
__scs_overlays_trampoline_lowered:
0x8: {  	[smem:$0x3FAA] =	sst s0  }
0x9: {  	[smem:$0x3FAB] =	sst s1  }
0xa: {  	[smem:$0x3FAC] =	sst s2  }
0xb: {  	[smem:$0x3FAD] =	sst s3  }
0xc: {  	[smem:$0x3FAE] =	sst s4  }
0xd: {  	[smem:$0x3FAF] =	sst s5  }
0xe: {  	[smem:$0x3FB0] =	sst s6  }
0xf: {  	[smem:$0x3FB1] =	sst s7  }
0x10: {  	[smem:$0x3FB2] =	sst s8  }
0x11: {  	[smem:$0x3FB3] =	sst s9;
	s0 =	simm.s32 @!p0 $0x0  }
0x12: {  	s1 =	sld [smem:$0x3F99];
	s0 =	simm.s32 @p0 $0x1  }
0x13: {  	[smem:$0x3FB4] =	sst s0;
	s0 =	simm.s32 @!p1 $0x0  }
0x14: {  	s2 =	sld [smem:$0x3F98];
	s0 =	simm.s32 @p1 $0x1  }
0x15: {  	[smem:$0x3FB5] =	sst s0;
	s0 =	simm.s32 @!p2 $0x0  }
0x16: {  	s3 =	sld [smem:$0x3FDB];
	s0 =	simm.s32 @p2 $0x1  }
0x17: {  	s4 =	simm.s32 $0x1BF5;
	[smem:$0x3FB7] =	sst s0  }
0x18: {  	s0 =	sld [smem:$0x3F9A];
	_ =	swait.ge [sflag:s4], $0x0  }
0x19: {  	s7 =	sld [smem:$0x3F9B]  }
0x1a: {  	s8 =	sadd.s32 $0xFFFFE003, lr  }
0x1b: {  	s9 =	sadd.s32 $0xFFFFFEF7, lr;
	s5 =	simm.s32 $0xFFFFFFFF;
	p2 =	slt.u32 s8, $0xFFFFF086  }
0x1c: {  	p1 =	slt.u32 s9, $0xF7A;
	s5 =	simm.s32 @!p2 $0x0  }
0x1d: {  	s5 =	simm.s32 @p1 $0x1;
	p0 =	seq.s32 s7, s2  }
0x1e: {  	s7 =	smul.u32 @!p0 $0xF7A, s2;
	p2 =	seq.s32 @!p0 s5, $0x0  }
0x1f: {  	s9 =	smul.u32 $0xF7A, s1;
	s8 =	simm.s32 @!p0 $0x1BF5;
	p2 =	por !p2, p0  }
0x20: {  	[sflag:s8] =	ssyncset.s32 @!p0 $0xFFFFF086;
	s6 =	sadd.s32 @!p0 s3, s7;
	s7 =	simm.s32 @!p0 $0x108  }
0x21: {  	s3 =	sadd.s32 s3, s9;
	s6 =	sadd.s32 @!p0 $0x88, s6;
	s7 =	simm.s32 @p2 $0x1082  }
0x22: {  	[simem:s7], [sflag:s8] =	dma.local @!p0 [hbm:s6], $0xF7A  }
0x23: {  	s9 =	sor.u32 $0xD0000000, s2;
	s6 =	simm.s32 $0x108;
	_ =	swait.ge @!p0 [sflag:s8], $0x0  }
0x24: {  	s3 =	sadd.s32 $0x88, s3;
	s6 =	simm.s32 @!p1 $0x1082;
	[sflag:s4] =	ssyncset.s32 $0xFFFFF086  }
0x25: {  	[simem:s6], [sflag:s4] =	dma.local [hbm:s3], $0xF7A  }
0x26: {  	[smem:$0x3F9B] =	sst s1;
	(tag) =	ssettag s2;
	_ =	strace s9  }
0x27: {  	s1 =	sld [smem:$0x3FAB]  }
0x28: {  	s2 =	sld [smem:$0x3FAC]  }
0x29: {  	s4 =	sld [smem:$0x3FAE]  }
0x2a: {  	p0 =	seq.s32 s5, $0x0;
	s5 =	sld [smem:$0x3FAF]  }
0x2b: {  	s6 =	sld [smem:$0x3FB0]  }
0x2c: {  	s7 =	sld [smem:$0x3FB1]  }
0x2d: {  	s3 =	simm.s32 $0x108;
	s8 =	sld [smem:$0x3FB2]  }
0x2e: {  	s3 =	simm.s32 @!p0 $0x1082;
	s9 =	sld [smem:$0x3FB3]  }
0x2f: {  	lr =	sadd.s32 s0, s3;
	s0 =	sld [smem:$0x3FAA]  }
0x30: {  	s3 =	sld [smem:$0x3FAD]  }
0x31: {  	[smem:$0x3FB6] =	sst s10  }
0x32: {  	s10 =	sld [smem:$0x3FB4];
	_ =	sdelay $0x3  }
0x33: {  	p0 =	seq.s32 s10, $0x1;
	s10 =	sld [smem:$0x3FB6];
	_ =	sdelay $0x3  }
0x34: {  	[smem:$0x3FB6] =	sst s10  }
0x35: {  	s10 =	sld [smem:$0x3FB5];
	_ =	sdelay $0x3  }
0x36: {  	p1 =	seq.s32 s10, $0x1;
	s10 =	sld [smem:$0x3FB6];
	_ =	sdelay $0x3  }
0x37: {  	[smem:$0x3FB6] =	sst s10  }
0x38: {  	s10 =	sld [smem:$0x3FB7]  }
0x39: {  	_ = 	snop;
	(pc) =	sbr.ind lr, $3  }
0x3a: {  	_ = 	snop  }
0x3b: {  	_ = 	snop  }
0x3c: {  	p2 =	seq.s32 s10, $0x1;
	s10 =	sld [smem:$0x3FB6]  }
0x3d: {  	_ =	shalt  }
0x3e: {  	_ =	shalt  }
0x3f: {  	_ =	shalt  }
0x40: {  	_ =	shalt  }
0x41: {  	_ =	shalt  }
0x42: {  	_ =	shalt  }
0x43: {  	_ =	shalt  }
0x44: {  	_ =	shalt  }
0x45: {  	_ =	shalt  }
0x46: {  	_ =	shalt  }
0x47: {  	_ =	shalt  }
0x48: {  	_ =	shalt  }
0x49: {  	_ =	shalt  }
0x4a: {  	_ =	shalt  }
0x4b: {  	_ =	shalt  }
0x4c: {  	_ =	shalt  }
0x4d: {  	_ =	shalt  }
0x4e: {  	_ =	shalt  }
0x4f: {  	_ =	shalt  }
0x50: {  	_ =	shalt  }
0x51: {  	_ =	shalt  }
0x52: {  	_ =	shalt  }
0x53: {  	_ =	shalt  }
0x54: {  	_ =	shalt  }
0x55: {  	_ =	shalt  }
0x56: {  	_ =	shalt  }
0x57: {  	_ =	shalt  }
0x58: {  	_ =	shalt  }
0x59: {  	_ =	shalt  }
0x5a: {  	_ =	shalt  }
0x5b: {  	_ =	shalt  }
0x5c: {  	_ =	shalt  }
0x5d: {  	_ =	shalt  }
0x5e: {  	_ =	shalt  }
0x5f: {  	_ =	shalt  }
0x60: {  	_ =	shalt  }
0x61: {  	_ =	shalt  }
0x62: {  	_ =	shalt  }
0x63: {  	_ =	shalt  }
0x64: {  	_ =	shalt  }
0x65: {  	_ =	shalt  }
0x66: {  	_ =	shalt  }
0x67: {  	_ =	shalt  }
0x68: {  	_ =	shalt  }
0x69: {  	_ =	shalt  }
0x6a: {  	_ =	shalt  }
0x6b: {  	_ =	shalt  }
0x6c: {  	_ =	shalt  }
0x6d: {  	_ =	shalt  }
0x6e: {  	_ =	shalt  }
0x6f: {  	_ =	shalt  }
0x70: {  	_ =	shalt  }
0x71: {  	_ =	shalt  }
0x72: {  	_ =	shalt  }
0x73: {  	_ =	shalt  }
0x74: {  	_ =	shalt  }
0x75: {  	_ =	shalt  }
0x76: {  	_ =	shalt  }
0x77: {  	_ =	shalt  }
0x78: {  	_ =	shalt  }
0x79: {  	_ =	shalt  }
0x7a: {  	_ =	shalt  }
0x7b: {  	_ =	shalt  }
0x7c: {  	_ =	shalt  }
0x7d: {  	_ =	shalt  }
0x7e: {  	_ =	shalt  }
0x7f: {  	_ =	shalt  }
0x80: {  	_ =	shalt  }
0x81: {  	_ =	shalt  }
0x82: {  	_ =	shalt  }
0x83: {  	_ =	shalt  }
0x84: {  	_ =	shalt  }
0x85: {  	_ =	shalt  }
0x86: {  	_ =	shalt  }
0x87: {  	_ =	shalt  }
.Lfunc_end0:
.L_simem_size_0:
called_computation.1_lowered:
.L_overlay_start_0:
0x88: {  	s2 =	sld [smem:$0x3FD9]  }
0x89: {  	s3 =	sld [smem:$0x3FFE];
	_ =	sdelay $0x1  }
0x8a: {  	s1 =	srdreg.scid  }
0x8b: {  	s0 =	sand.u32 $0x1, s1  }
0x8c: {  	s17 =	sshll.u32 s0, $0xA;
	s2 =	sadd.s32 s3, s2  }
0x8d: {  	s2 =	sadd.s32 s2, s17  }
0x8e: {  	[smem:$0x3FC2] =	sst s2  }
0x8f: {  	_ = 	snop  }
0x90: {  	(tm) =	ssettm $0x1  }
0x91: {  	s18 =	sld [smem:$0x3FFB];
	_ =	sdelay $0x3  }
0x92: {  	_ =	strace s18  }
0x93: {  	s2 =	sld [smem:$0x3FFC];
	_ =	sdelay $0x3  }
0x94: {  	_ =	strace s2  }
0x95: {  	s2 =	sld [smem:$0x3FFD];
	_ =	sdelay $0x3  }
0x96: {  	_ =	strace s2  }
0x97: {  	_ =	strace $0x8FFFFFFF  }
0x98: {  	s19 =	sld [smem:$0x3FDB];
	_ =	sdelay $0x1  }
0x99: {  	s20 =	simm.s32 $_scs_section_size  }
0x9a: {  	s4 =	simm.s32 $_size__tile_overlayer_lowered;
	s5 =	simm.s32 $_tile_overlayer_lowered  }
0x9b: {  	s6 =	simm.s32 $0x1BFF;
	s21 =	sshll.u32 s5, $0x1;
	s3 =	sadd.s32 s20, s19  }
0x9c: {  	s22 =	simm.s32 $0x0;
	s4 =	sshll.u32 s4, $0x1;
	s5 =	sadd.s32 s21, s3  }
0x9d: {  	[timem:s22], [sflag:s6] =	dma.local [hbm:s5], s4  }
0x9e: {  	_ =	swait.ge [sflag:s6], s4  }
0x9f: {  	s4 =	ssub.s32 $0x0, s4;
	[sflag:s6] =	ssyncset.done $0x0  }
0xa0: {  	[sflag:s6] =	ssyncadd.s32 s4;
	_ =	sdelay $0x1  }
0xa1: {  	s23 =	simm.s32 $0x1B8B  }
0xa2: {  	_ =	swait.ge [sflag:s23], $0x1  }
0xa3: {  	[sflag:s23] =	ssyncset.done $0x0  }
0xa4: {  	[sflag:s23] =	ssyncadd.s32 $0xFFFFFFFF  }
0xa5: {  	s4 =	sld [smem:$0x0]  }
0xa6: {  	s5 =	sand.u32 $0xFFFFFFFE, s1  }
0xa7: {  	p0 =	sne.s32 s1, s5  }
0xa8: {  	s5 =	sshll.u32 @p0 s5, $0xE  }
0xa9: {  	s5 =	sadd.s32 @p0 $0x11B8D, s5;
	s6 =	sshll.u32 @p0 s4, $0x11  }
0xaa: {  	s5 =	sor.u32 @p0 s6, s5  }
0xab: {  	[sflag:s5] =	ssyncadd.remote.s32 @p0 $0x1;
	_ =	sdelay $0x1  }
0xac: {  	s5 =	simm.s32 @p0 $0x1B8D  }
0xad: {  	_ =	swait.eq @p0 [sflag:s5], $0x1  }
0xae: {  	[sflag:s5] =	ssyncadd.s32 @p0 $0xFFFFFFFF  }
0xaf: {  	s6 =	sshll.u32 @!p0 s1, $0xE  }
0xb0: {  	s6 =	sor.u32 @!p0 $0x4000, s6;
	s5 =	simm.s32 @!p0 $0x1B8D  }
0xb1: {  	s4 =	sshll.u32 @!p0 s4, $0x11;
	s6 =	sadd.s32 @!p0 $0x11B8D, s6;
	_ =	swait.eq @!p0 [sflag:s5], $0x1  }
0xb2: {  	s4 =	sor.u32 @!p0 s4, s6;
	[sflag:s5] =	ssyncadd.s32 @!p0 $0xFFFFFFFF  }
0xb3: {  	s25 =	simm.s32 $0x1B8E;
	s24 =	sld [smem:$0x3FFE];
	[sflag:s4] =	ssyncadd.remote.s32 @!p0 $0x1  }
0xb4: {  	s26 =	simm.s32 $execute0_lowered;
	[smem:$0x3FD2] =	sst s25  }
0xb5: {  	s5 =	sshll.u32 s26, $0x1;
	_ =	strace $0x80000049;
	[dreg:$0x1] =	wrdreg $0xFFFFFFFF  }
0xb6: {  	s28 =	simm.s32 $_size_execute0_lowered;
	s3 =	sadd.s32 s3, s5;
	[dreg:$0x0] =	wrdreg $0x0  }
0xb7: {  	s5 =	sshll.u32 s28, $0x1;
	[dreg:$0x2] =	wrdreg s3  }
0xb8: {  	[dreg:$0x3] =	wrdreg s5  }
0xb9: {  	[dreg:$0x4] =	wrdreg $0xC0  }
0xba: {  	_ =	task [dreg:s22], $0x5FFFF  }
0xbb: {  	[dreg:$0x1] =	wrdreg $0xFFFFFFFF  }
0xbc: {  	[dreg:$0x0] =	wrdreg $0x60  }
0xbd: {  	[dreg:$0x2] =	wrdreg s24  }
0xbe: {  	[dreg:$0x3] =	wrdreg $0xA  }
0xbf: {  	_ =	task.clear_ibuf [dreg:s22], $0x4FFFF;
	_ =	strace $0x90000049  }
0xc0: {  	s29 =	simm.s32 $0xA;
	_ =	strace $0x8000004B  }
0xc1: {  	_ =	swait.ge [sflag:s29], $0x1  }
0xc2: {  	[sflag:s29] =	ssyncadd.s32 $0xFFFFFFFF  }
0xc3: {  	_ =	strace $0x9000004B  }
0xc4: {  	_ =	sfence  }
0xc5: {  	s30 =	sld [smem:$0x0];
	_ =	sdelay $0x2  }
0xc6: {  	s31 =	sshll.u32 s1, $0xD;
	s1 =	sshrl.u32 s1, $0x2  }
0xc7: {  	s4 =	sand.u32 $0x4000, s31;
	s1 =	sadd.s32 s1, s30  }
0xc8: {  	s0 =	sor.u32 s4, s0;
	s1 =	sshll.u32 s1, $0x11  }
0xc9: {  	s0 =	sor.u32 s1, s0  }
0xca: {  	s0 =	sadd.s32 $0x8F2B, s0  }
0xcb: {  	[sflag:s0] =	ssyncadd.remote.s32 $0x1  }
0xcc: {  	_ =	sfence.sel $0xFFFF  }
0xcd: {  	[dreg:$0x0] =	wrdreg $0xFFFFFFFF;
	(pc) =	sbr.abs _section_cstart, $3  }
0xce: {  	[dreg:$0x1] =	wrdreg $0xFFFFFFFF  }
0xcf: {  	_ =	task.clear_ibuf [dreg:s22], $0x2FFFF;
	_ =	strace $0x9FFFFFFF  }
0xd0: {  	(tm) =	ssettm $0x7FFFFFFF  }
0xd1: {  	_ =	shalt  }
tec
execute0_lowered:
.L_overlay_start_1:
0x0: {  	(tag) =	ssettag $0x1  }
0x1: {  	s4 =	rddreg [dreg:$0x0]  }
0x2: {  	s0 =	rddreg [dreg:$0x1]  }
0x3: {  	s3 =	srdreg.scid;
	s1 =	stileid.u32  }
0x4: {  	s2 =	simm.s32 $0x0;
	s12 =	simm.s32 $0x1900;
	s13 =	simm.s32 $0x1  }
0x5: {  	s14 =	simm.s32 $0x10;
	s15 =	simm.s32 $0x80;
	s16 =	simm.s32 $0x2  }
0x6: {  	s17 =	simm.s32 $0x0;
	s5 =	sand.u32 $0x1, s3;
	s25 =	sshll.u32 s1, $0x1  }
0x7: {  	[smem:$0x7FF] =	sst s2;
	s9 =	sadd.s32 $0x321600, s4;
	s8 =	smul.u32 $0x1900, s1  }
0x8: {  	s3 =	sadd.s32 $0x4B1600, s4;
	s7 =	sor.u32 s5, s25;
	s10 =	smul.u32 $0xC80, s5  }
0x9: {  	s4 =	sadd.s32 $0x1131600, s4;
	s11 =	ssub.s32 $0x2, s5;
	s6 =	smul.u32 $0xC80, s7  }
.Ltmp0:
0xa: {  	_ =	strace $0x8000004A;
	s28 =	sshrl.u32 s11, $0x1;
	(pc) =	sbr.rel .LBB2_1-.Ltmp0, $4  }
0xb: {  	s7 =	smul.u32 $0x64000, s7;
	s8 =	sadd.s32 s10, s8;
	s29 =	ssub.s32 s11, s28  }
0xc: {  	s10 =	simm.s32 $0x3;
	s26 =	sshrl.u32 s6, $0x3;
	s30 =	sadd.s32 $0x32000, s8  }
0xd: {  	s11 =	simm.s32 $0xC80;
	s5 =	sadd.s32 s9, s26;
	s31 =	sshrl.u32 s30, $0x3  }
0xe: {  	s8 =	smax.u32 s29, $0x1;
	s6 =	sadd.s32 $0x3200, s5;
	s9 =	sadd.s32 s31, s9  }
.LBB2_6:
0xf: {  	s17 =	sadd.s32 $0x1, s17  }
0x10: {  	_ =	swait.ge [sflag:s16], $0xC800;
	p0 =	sne.s32 s17, s8  }
.Ltmp1:
0x11: {  	[sflag:s16] =	ssyncset.done $0x0;
	(pc) =	sbr.rel @!p0 .LBB2_7-.Ltmp1, $4  }
0x12: {  	[sflag:s16] =	ssyncadd.s32 $0xFFFF3800  }
0x13: {  	_ =	swait.ge [sflag:s16], $0xC800  }
0x14: {  	[sflag:s16] =	ssyncset.done $0x0  }
0x15: {  	[sflag:s16] =	ssyncadd.s32 $0xFFFF3800  }
.LBB2_1:
0x16: {  	[tilespmem:s2], [sflag:$0x3] =	stream.linear.gather [hbm4b:s5+s2], $0xC80, $0x38;
	[tilespmem:$0x1A900] =	vst v63  }
0x17: {  	_ =	swait.ge [sflag:s10], $0xC80  }
0x18: {  	[sflag:s10] =	ssyncset.done $0x0  }
0x19: {  	[sflag:s10] =	ssyncadd.s32 $0xFFFFF380  }
0x1a: {  	[tilespmem:s12], [sflag:$0x1] =	stream.indirect.gather [hbm4b:s3+s11], $0x10, s2, s11, $0xb8;
	[tilespmem:$0x1A900] =	vst v63  }
.Ltmp2:
0x1b: {  	_ = 	snop;
	(pc) =	sbr.rel .LBB2_2-.Ltmp2, $4  }
0x1c: {  	[tilespmem:s11], [sflag:$0x3] =	stream.linear.gather [hbm4b:s6+s2], $0xC80, $0x38;
	[tilespmem:$0x1A900] =	vst v63  }
0x1d: {  	_ =	swait.ge [sflag:s10], $0xC80  }
0x1e: {  	s18 =	simm.s32 $0x0;
	[sflag:s10] =	ssyncset.done $0x0  }
0x1f: {  	s19 =	simm.s32 $0x1;
	s20 =	smov.u32 s9;
	[sflag:s10] =	ssyncadd.s32 $0xFFFFF380  }
.LBB2_5:
0x20: {  	s21 =	sand.u32 $0x1, s19;
	s19 =	sadd.s32 $0x1, s19  }
0x21: {  	s22 =	smul.u32 $0x32000, s21;
	p0 =	sne.s32 s19, $0x1B  }
.Ltmp3:
0x22: {  	_ = 	snop;
	(pc) =	sbr.rel @!p0 .LBB2_6-.Ltmp3, $4  }
0x23: {  	s21 =	smul.u32 $0x3200, s21  }
0x24: {  	s20 =	sadd.s32 $0x3200, s20;
	s22 =	sshrl.u32 s22, $0x2  }
0x25: {  	s18 =	sadd.s32 $0x10, s18;
	s21 =	sshrl.u32 s21, $0x2;
	s22 =	sadd.s32 $0x1900, s22  }
0x26: {  	[tilespmem:s22], [sflag:$0x1] =	stream.indirect.gather [hbm4b:s3+s11], $0x10, s21, s11, $0xb8;
	[tilespmem:$0x1A900] =	vst v63  }
.LBB2_2:
0x27: {  	s21 =	sadd.s32 $0xFFFFFFFF, s19  }
0x28: {  	s22 =	sshrl.u32 s21, $0x3  }
0x29: {  	s22 =	smul.u32 $0xC80000, s22  }
0x2a: {  	_ =	swait.ge [sflag:s13], $0xC800  }
0x2b: {  	s23 =	sand.u32 $0x70, s18;
	[sflag:s13] =	ssyncset.done $0x0;
	s22 =	sadd.s32 s7, s22  }
0x2c: {  	s31 =	sand.u32 $0x1, s21;
	p1 =	sgt.u32 s21, $0x17;
	s22 =	sor.u32 s23, s22  }
0x2d: {  	p0 =	seq.s32 s31, $0x1;
	s23 =	simm.s32 $0xE100;
	s22 =	sshrl.u32 s22, $0x3  }
0x2e: {  	[sflag:s13] =	ssyncadd.s32 $0xFFFF3800;
	s23 =	simm.s32 @!p0 $0x1900;
	s22 =	sadd.s32 s4, s22  }
0x2f: {  	[hbm4b:s22+s14] =	stream.strided.scatter [tilespmem:s23], [sflag:$0x2], $0xC800, s15, s14, $0x38;
	[tilespmem:$0x1A900] =	vst v63  }
0x30: {  	p0 =	por !p0, p1;
	s22 =	simm.s32 @!p1 $0xC80  }
0x31: {  	s23 =	simm.s32 @!p1 $0x0;
	s22 =	simm.s32 @p0 $0x0;
	p0 =	seq.s32 s21, $0x0  }
0x32: {  	[tilespmem:s22], [sflag:$0x3] =	stream.linear.gather @!p1 [hbm4b:s20+s23], $0xC80, $0x38;
	[tilespmem:$0x1A900] =	vst v63  }
.Ltmp4:
0x33: {  	_ = 	snop;
	(pc) =	sbr.rel @p0 .LBB2_5-.Ltmp4, $4  }
0x34: {  	s22 =	simm.s32 @!p1 $0x3  }
0x35: {  	_ =	swait.ge @!p1 [sflag:s22], $0xC80  }
0x36: {  	[sflag:s22] =	ssyncset.done @!p1 $0x0  }
0x37: {  	[sflag:s22] =	ssyncadd.s32 @!p1 $0xFFFFF380  }
0x38: {  	p0 =	seq.s32 s21, $0x19  }
.Ltmp5:
0x39: {  	_ = 	snop;
	(pc) =	sbr.rel @p0 .LBB2_6-.Ltmp5, $1  }
0x3a: {  	_ =	sdelay $0x3  }
.Ltmp6:
0x3b: {  	(pc) =	sbr.rel .LBB2_5-.Ltmp6, $4  }
0x3c: {  	_ = 	snop  }
0x3d: {  	_ =	swait.ge [sflag:s16], $0xC800  }
0x3e: {  	[sflag:s16] =	ssyncset.done $0x0  }
0x3f: {  	[sflag:s16] =	ssyncadd.s32 $0xFFFF3800  }
.LBB2_7:
0x40: {  	_ =	sfence.sel $0x180000  }
0x41: {  	[bflag:$0x0] =	sbarrier.arrive $0xFFFF  }
0x42: {  	p0 =	sne.s32 s1, $0x0;
	_ =	strace $0x9000004A  }
0x43: {  	s0 =	sadd.s32 @!p0 $0x100000, s0;
	[bflag:$0x2] =	sbarrier.arrive $0xFFFF  }
0x44: {  	[sflag:s0] =	ssyncadd.tile.s32 @!p0 $0x1;
	_ =	shalt  }
.Lfunc_end2:
_tile_overlayer_lowered:
.L_overlay_start_2:
0x45: {  	(tag) =	ssettag $0x2  }
0x46: {  	s0 =	rddreg [dreg:$0x0];
	s2 =	stileid.u32  }
0x47: {  	s1 =	rddreg [dreg:$0x1];
	p0 =	sne.s32 s2, $0x0  }
0x48: {  	s3 =	rddreg [dreg:$0x2];
	[bflag:$0x3] =	sbarrier.arrive $0xFFFF;
	s2 =	simm.s32 @!p0 $0x1C03  }
0x49: {  	[timem:s3], [sflag:s2] =	dma.local @!p0 [hbm:s0], s1  }
0x4a: {  	s0 =	simm.s32 @!p0 $0x3  }
0x4b: {  	_ =	swait.ge @!p0 [sflag:s0], s1  }
0x4c: {  	s1 =	ssub.s32 @!p0 $0x0, s1;
	[sflag:s0] =	ssyncset.done @!p0 $0x0  }
0x4d: {  	[sflag:s0] =	ssyncadd.s32 @!p0 s1  }
0x4e: {  	[bflag:$0x3] =	sbarrier.arrive $0xFFFF  }
0x4f: {  	_ =	shalt  }

// kernel: kernel.7.cloned.1.call-start
scs
__scs_entry_jumppad:
0x0: {  	(pc) =	sbr.rel $0x88, $3  }
0x1: {  	(tag) =	ssettag $0x0;
	lr =	simm.s32 $0x1  }
0x2: {  	[smem:$0x3F9B] =	sst lr;
	_ =	strace $0xD0000000  }
0x3: {  	_ = 	snop  }
0x4: {  	_ = 	snop  }
0x5: {  	_ = 	snop  }
0x6: {  	_ = 	snop  }
0x7: {  	_ = 	snop  }
__scs_overlays_trampoline_lowered:
0x8: {  	[smem:$0x3FAA] =	sst s0  }
0x9: {  	[smem:$0x3FAB] =	sst s1  }
0xa: {  	[smem:$0x3FAC] =	sst s2  }
0xb: {  	[smem:$0x3FAD] =	sst s3  }
0xc: {  	[smem:$0x3FAE] =	sst s4  }
0xd: {  	[smem:$0x3FAF] =	sst s5  }
0xe: {  	[smem:$0x3FB0] =	sst s6  }
0xf: {  	[smem:$0x3FB1] =	sst s7  }
0x10: {  	[smem:$0x3FB2] =	sst s8  }
0x11: {  	[smem:$0x3FB3] =	sst s9;
	s0 =	simm.s32 @!p0 $0x0  }
0x12: {  	s1 =	sld [smem:$0x3F99];
	s0 =	simm.s32 @p0 $0x1  }
0x13: {  	[smem:$0x3FB4] =	sst s0;
	s0 =	simm.s32 @!p1 $0x0  }
0x14: {  	s2 =	sld [smem:$0x3F98];
	s0 =	simm.s32 @p1 $0x1  }
0x15: {  	[smem:$0x3FB5] =	sst s0;
	s0 =	simm.s32 @!p2 $0x0  }
0x16: {  	s3 =	sld [smem:$0x3FDB];
	s0 =	simm.s32 @p2 $0x1  }
0x17: {  	s4 =	simm.s32 $0x1BF5;
	[smem:$0x3FB7] =	sst s0  }
0x18: {  	s0 =	sld [smem:$0x3F9A];
	_ =	swait.ge [sflag:s4], $0x0  }
0x19: {  	s7 =	sld [smem:$0x3F9B]  }
0x1a: {  	s8 =	sadd.s32 $0xFFFFE003, lr  }
0x1b: {  	s9 =	sadd.s32 $0xFFFFFEF7, lr;
	s5 =	simm.s32 $0xFFFFFFFF;
	p2 =	slt.u32 s8, $0xFFFFF086  }
0x1c: {  	p1 =	slt.u32 s9, $0xF7A;
	s5 =	simm.s32 @!p2 $0x0  }
0x1d: {  	s5 =	simm.s32 @p1 $0x1;
	p0 =	seq.s32 s7, s2  }
0x1e: {  	s7 =	smul.u32 @!p0 $0xF7A, s2;
	p2 =	seq.s32 @!p0 s5, $0x0  }
0x1f: {  	s9 =	smul.u32 $0xF7A, s1;
	s8 =	simm.s32 @!p0 $0x1BF5;
	p2 =	por !p2, p0  }
0x20: {  	[sflag:s8] =	ssyncset.s32 @!p0 $0xFFFFF086;
	s6 =	sadd.s32 @!p0 s3, s7;
	s7 =	simm.s32 @!p0 $0x108  }
0x21: {  	s3 =	sadd.s32 s3, s9;
	s6 =	sadd.s32 @!p0 $0x88, s6;
	s7 =	simm.s32 @p2 $0x1082  }
0x22: {  	[simem:s7], [sflag:s8] =	dma.local @!p0 [hbm:s6], $0xF7A  }
0x23: {  	s9 =	sor.u32 $0xD0000000, s2;
	s6 =	simm.s32 $0x108;
	_ =	swait.ge @!p0 [sflag:s8], $0x0  }
0x24: {  	s3 =	sadd.s32 $0x88, s3;
	s6 =	simm.s32 @!p1 $0x1082;
	[sflag:s4] =	ssyncset.s32 $0xFFFFF086  }
0x25: {  	[simem:s6], [sflag:s4] =	dma.local [hbm:s3], $0xF7A  }
0x26: {  	[smem:$0x3F9B] =	sst s1;
	(tag) =	ssettag s2;
	_ =	strace s9  }
0x27: {  	s1 =	sld [smem:$0x3FAB]  }
0x28: {  	s2 =	sld [smem:$0x3FAC]  }
0x29: {  	s4 =	sld [smem:$0x3FAE]  }
0x2a: {  	p0 =	seq.s32 s5, $0x0;
	s5 =	sld [smem:$0x3FAF]  }
0x2b: {  	s6 =	sld [smem:$0x3FB0]  }
0x2c: {  	s7 =	sld [smem:$0x3FB1]  }
0x2d: {  	s3 =	simm.s32 $0x108;
	s8 =	sld [smem:$0x3FB2]  }
0x2e: {  	s3 =	simm.s32 @!p0 $0x1082;
	s9 =	sld [smem:$0x3FB3]  }
0x2f: {  	lr =	sadd.s32 s0, s3;
	s0 =	sld [smem:$0x3FAA]  }
0x30: {  	s3 =	sld [smem:$0x3FAD]  }
0x31: {  	[smem:$0x3FB6] =	sst s10  }
0x32: {  	s10 =	sld [smem:$0x3FB4];
	_ =	sdelay $0x3  }
0x33: {  	p0 =	seq.s32 s10, $0x1;
	s10 =	sld [smem:$0x3FB6];
	_ =	sdelay $0x3  }
0x34: {  	[smem:$0x3FB6] =	sst s10  }
0x35: {  	s10 =	sld [smem:$0x3FB5];
	_ =	sdelay $0x3  }
0x36: {  	p1 =	seq.s32 s10, $0x1;
	s10 =	sld [smem:$0x3FB6];
	_ =	sdelay $0x3  }
0x37: {  	[smem:$0x3FB6] =	sst s10  }
0x38: {  	s10 =	sld [smem:$0x3FB7]  }
0x39: {  	_ = 	snop;
	(pc) =	sbr.ind lr, $3  }
0x3a: {  	_ = 	snop  }
0x3b: {  	_ = 	snop  }
0x3c: {  	p2 =	seq.s32 s10, $0x1;
	s10 =	sld [smem:$0x3FB6]  }
0x3d: {  	_ =	shalt  }
0x3e: {  	_ =	shalt  }
0x3f: {  	_ =	shalt  }
0x40: {  	_ =	shalt  }
0x41: {  	_ =	shalt  }
0x42: {  	_ =	shalt  }
0x43: {  	_ =	shalt  }
0x44: {  	_ =	shalt  }
0x45: {  	_ =	shalt  }
0x46: {  	_ =	shalt  }
0x47: {  	_ =	shalt  }
0x48: {  	_ =	shalt  }
0x49: {  	_ =	shalt  }
0x4a: {  	_ =	shalt  }
0x4b: {  	_ =	shalt  }
0x4c: {  	_ =	shalt  }
0x4d: {  	_ =	shalt  }
0x4e: {  	_ =	shalt  }
0x4f: {  	_ =	shalt  }
0x50: {  	_ =	shalt  }
0x51: {  	_ =	shalt  }
0x52: {  	_ =	shalt  }
0x53: {  	_ =	shalt  }
0x54: {  	_ =	shalt  }
0x55: {  	_ =	shalt  }
0x56: {  	_ =	shalt  }
0x57: {  	_ =	shalt  }
0x58: {  	_ =	shalt  }
0x59: {  	_ =	shalt  }
0x5a: {  	_ =	shalt  }
0x5b: {  	_ =	shalt  }
0x5c: {  	_ =	shalt  }
0x5d: {  	_ =	shalt  }
0x5e: {  	_ =	shalt  }
0x5f: {  	_ =	shalt  }
0x60: {  	_ =	shalt  }
0x61: {  	_ =	shalt  }
0x62: {  	_ =	shalt  }
0x63: {  	_ =	shalt  }
0x64: {  	_ =	shalt  }
0x65: {  	_ =	shalt  }
0x66: {  	_ =	shalt  }
0x67: {  	_ =	shalt  }
0x68: {  	_ =	shalt  }
0x69: {  	_ =	shalt  }
0x6a: {  	_ =	shalt  }
0x6b: {  	_ =	shalt  }
0x6c: {  	_ =	shalt  }
0x6d: {  	_ =	shalt  }
0x6e: {  	_ =	shalt  }
0x6f: {  	_ =	shalt  }
0x70: {  	_ =	shalt  }
0x71: {  	_ =	shalt  }
0x72: {  	_ =	shalt  }
0x73: {  	_ =	shalt  }
0x74: {  	_ =	shalt  }
0x75: {  	_ =	shalt  }
0x76: {  	_ =	shalt  }
0x77: {  	_ =	shalt  }
0x78: {  	_ =	shalt  }
0x79: {  	_ =	shalt  }
0x7a: {  	_ =	shalt  }
0x7b: {  	_ =	shalt  }
0x7c: {  	_ =	shalt  }
0x7d: {  	_ =	shalt  }
0x7e: {  	_ =	shalt  }
0x7f: {  	_ =	shalt  }
0x80: {  	_ =	shalt  }
0x81: {  	_ =	shalt  }
0x82: {  	_ =	shalt  }
0x83: {  	_ =	shalt  }
0x84: {  	_ =	shalt  }
0x85: {  	_ =	shalt  }
0x86: {  	_ =	shalt  }
0x87: {  	_ =	shalt  }
.Lfunc_end0:
.L_simem_size_0:
called_computation_lowered:
.L_overlay_start_0:
0x88: {  	s2 =	sld [smem:$0x3FD9]  }
0x89: {  	s3 =	sld [smem:$0x3FFE];
	_ =	sdelay $0x1  }
0x8a: {  	s1 =	srdreg.scid  }
0x8b: {  	s0 =	sand.u32 $0x1, s1  }
0x8c: {  	s17 =	sshll.u32 s0, $0xA;
	s2 =	sadd.s32 s3, s2  }
0x8d: {  	s2 =	sadd.s32 s2, s17  }
0x8e: {  	[smem:$0x3FC2] =	sst s2  }
0x8f: {  	_ = 	snop  }
0x90: {  	s2 =	sld [smem:$0x3FD0];
	(tm) =	ssettm $0x1  }
0x91: {  	s18 =	sld [smem:$0x3FFB];
	_ =	sdelay $0x3  }
0x92: {  	_ =	strace s18  }
0x93: {  	s3 =	sld [smem:$0x3FFC];
	_ =	sdelay $0x3  }
0x94: {  	_ =	strace s3  }
0x95: {  	s3 =	sld [smem:$0x3FFD];
	_ =	sdelay $0x3  }
0x96: {  	_ =	strace s3  }
0x97: {  	_ =	strace $0x8FFFFFFF  }
0x98: {  	s19 =	sld [smem:$0x3FDB];
	_ =	sdelay $0x1  }
0x99: {  	s4 =	simm.s32 $_scs_section_size  }
0x9a: {  	s5 =	simm.s32 $_size__tile_overlayer_lowered;
	s6 =	simm.s32 $_tile_overlayer_lowered  }
0x9b: {  	s22 =	simm.s32 $0x1BFF;
	s21 =	sshll.u32 s6, $0x1;
	s3 =	sadd.s32 s4, s19  }
0x9c: {  	s7 =	simm.s32 $0x0;
	s20 =	sshll.u32 s5, $0x1;
	s5 =	sadd.s32 s21, s3  }
0x9d: {  	[timem:s7], [sflag:s22] =	dma.local [hbm:s5], s20  }
0x9e: {  	_ =	swait.ge [sflag:s22], s20  }
0x9f: {  	s4 =	ssub.s32 $0x0, s20;
	[sflag:s22] =	ssyncset.done $0x0  }
0xa0: {  	[sflag:s22] =	ssyncadd.s32 s4;
	_ =	sdelay $0x1  }
0xa1: {  	s23 =	simm.s32 $0x1B8B  }
0xa2: {  	_ =	swait.ge [sflag:s23], $0x1  }
0xa3: {  	[sflag:s23] =	ssyncset.done $0x0  }
0xa4: {  	s25 =	simm.s32 $0x1B8E;
	s24 =	sld [smem:$0x3FFE];
	[sflag:s23] =	ssyncadd.s32 $0xFFFFFFFF  }
0xa5: {  	s26 =	simm.s32 $execute0_lowered;
	[smem:$0x3FD2] =	sst s25  }
0xa6: {  	s5 =	sshll.u32 s26, $0x1;
	_ =	strace $0x80000046;
	[dreg:$0x1] =	wrdreg $0xFFFFFFFF  }
0xa7: {  	s28 =	simm.s32 $_size_execute0_lowered;
	s3 =	sadd.s32 s3, s5;
	[dreg:$0x0] =	wrdreg $0x0  }
0xa8: {  	s5 =	sshll.u32 s28, $0x1;
	[dreg:$0x2] =	wrdreg s3  }
0xa9: {  	[dreg:$0x3] =	wrdreg s5  }
0xaa: {  	[dreg:$0x4] =	wrdreg $0xC0  }
0xab: {  	_ =	task [dreg:s7], $0x5FFFF  }
0xac: {  	[dreg:$0x1] =	wrdreg $0xFFFFFFFF  }
0xad: {  	[dreg:$0x0] =	wrdreg $0x60  }
0xae: {  	[dreg:$0x2] =	wrdreg s2  }
0xaf: {  	[dreg:$0x3] =	wrdreg s24  }
0xb0: {  	[dreg:$0x4] =	wrdreg $0x9  }
0xb1: {  	_ =	task.clear_ibuf [dreg:s7], $0x5FFFF;
	_ =	strace $0x90000046  }
0xb2: {  	s29 =	simm.s32 $0x9;
	_ =	strace $0x80000048  }
0xb3: {  	_ =	swait.ge [sflag:s29], $0x1  }
0xb4: {  	[sflag:s29] =	ssyncadd.s32 $0xFFFFFFFF  }
0xb5: {  	_ =	strace $0x90000048  }
0xb6: {  	_ =	sfence  }
0xb7: {  	s30 =	sld [smem:$0x0];
	_ =	sdelay $0x2  }
0xb8: {  	s31 =	sshll.u32 s1, $0xD;
	s1 =	sshrl.u32 s1, $0x2  }
0xb9: {  	s3 =	sand.u32 $0x4000, s31;
	s1 =	sadd.s32 s1, s30  }
0xba: {  	s0 =	sor.u32 s3, s0;
	s1 =	sshll.u32 s1, $0x11  }
0xbb: {  	s0 =	sor.u32 s1, s0  }
0xbc: {  	s0 =	sadd.s32 $0x8F2B, s0  }
0xbd: {  	[sflag:s0] =	ssyncadd.remote.s32 $0x1  }
0xbe: {  	_ =	sfence.sel $0xFFFF  }
0xbf: {  	[dreg:$0x0] =	wrdreg $0xFFFFFFFF;
	(pc) =	sbr.abs _section_cstart, $3  }
0xc0: {  	[dreg:$0x1] =	wrdreg $0xFFFFFFFF  }
0xc1: {  	_ =	task.clear_ibuf [dreg:s7], $0x2FFFF;
	_ =	strace $0x9FFFFFFF  }
0xc2: {  	(tm) =	ssettm $0x7FFFFFFF  }
0xc3: {  	_ =	shalt  }
tec
execute0_lowered:
.L_overlay_start_1:
0x0: {  	(tag) =	ssettag $0x1  }
0x1: {  	s9 =	rddreg [dreg:$0x0];
	s1 =	srdreg.scid  }
0x2: {  	s0 =	stileid.u32;
	s4 =	rddreg [dreg:$0x1]  }
0x3: {  	s2 =	simm.s32 $0x0;
	s12 =	simm.s32 $0x1900;
	s13 =	simm.s32 $0x1  }
0x4: {  	s14 =	simm.s32 $0x10;
	s15 =	simm.s32 $0x80;
	s16 =	simm.s32 $0x2  }
0x5: {  	s17 =	simm.s32 $0x0;
	s5 =	sand.u32 $0x1, s1;
	s1 =	rddreg [dreg:$0x2]  }
0x6: {  	s3 =	sshll.u32 s0, $0x1;
	[smem:$0x7FF] =	sst s2;
	s8 =	smul.u32 $0x1900, s0  }
0x7: {  	s7 =	sor.u32 s5, s3;
	_ =	strace $0x80000047;
	s10 =	smul.u32 $0xC80, s5  }
0x8: {  	s3 =	sadd.s32 $0x4B1600, s4;
	s11 =	ssub.s32 $0x2, s5;
	s6 =	smul.u32 $0xC80, s7  }
.Ltmp0:
0x9: {  	s4 =	sadd.s32 $0xAF1600, s4;
	s28 =	sshrl.u32 s11, $0x1;
	(pc) =	sbr.rel .LBB2_1-.Ltmp0, $4  }
0xa: {  	s7 =	smul.u32 $0x64000, s7;
	s8 =	sadd.s32 s10, s8;
	s29 =	ssub.s32 s11, s28  }
0xb: {  	s10 =	simm.s32 $0x3;
	s26 =	sshrl.u32 s6, $0x3;
	s30 =	sadd.s32 $0x32000, s8  }
0xc: {  	s11 =	simm.s32 $0xC80;
	s5 =	sadd.s32 s9, s26;
	s31 =	sshrl.u32 s30, $0x3  }
0xd: {  	s8 =	smax.u32 s29, $0x1;
	s6 =	sadd.s32 $0x3200, s5;
	s9 =	sadd.s32 s31, s9  }
.LBB2_6:
0xe: {  	s17 =	sadd.s32 $0x1, s17  }
0xf: {  	_ =	swait.ge [sflag:s16], $0xC800;
	p0 =	sne.s32 s17, s8  }
.Ltmp1:
0x10: {  	[sflag:s16] =	ssyncset.done $0x0;
	(pc) =	sbr.rel @!p0 .LBB2_7-.Ltmp1, $4  }
0x11: {  	[sflag:s16] =	ssyncadd.s32 $0xFFFF3800  }
0x12: {  	_ =	swait.ge [sflag:s16], $0xC800  }
0x13: {  	[sflag:s16] =	ssyncset.done $0x0  }
0x14: {  	[sflag:s16] =	ssyncadd.s32 $0xFFFF3800  }
.LBB2_1:
0x15: {  	[tilespmem:s2], [sflag:$0x3] =	stream.linear.gather [hbm4b:s5+s2], $0xC80, $0x38;
	[tilespmem:$0x1A900] =	vst v63  }
0x16: {  	_ =	swait.ge [sflag:s10], $0xC80  }
0x17: {  	[sflag:s10] =	ssyncset.done $0x0  }
0x18: {  	[sflag:s10] =	ssyncadd.s32 $0xFFFFF380  }
0x19: {  	[tilespmem:s12], [sflag:$0x1] =	stream.indirect.gather [hbm4b:s3+s11], $0x10, s2, s11, $0xb8;
	[tilespmem:$0x1A900] =	vst v63  }
.Ltmp2:
0x1a: {  	_ = 	snop;
	(pc) =	sbr.rel .LBB2_2-.Ltmp2, $4  }
0x1b: {  	[tilespmem:s11], [sflag:$0x3] =	stream.linear.gather [hbm4b:s6+s2], $0xC80, $0x38;
	[tilespmem:$0x1A900] =	vst v63  }
0x1c: {  	_ =	swait.ge [sflag:s10], $0xC80  }
0x1d: {  	s18 =	simm.s32 $0x0;
	[sflag:s10] =	ssyncset.done $0x0  }
0x1e: {  	s19 =	simm.s32 $0x1;
	s20 =	smov.u32 s9;
	[sflag:s10] =	ssyncadd.s32 $0xFFFFF380  }
.LBB2_5:
0x1f: {  	s21 =	sand.u32 $0x1, s19;
	s19 =	sadd.s32 $0x1, s19  }
0x20: {  	s22 =	smul.u32 $0x32000, s21;
	p0 =	sne.s32 s19, $0x1B  }
.Ltmp3:
0x21: {  	_ = 	snop;
	(pc) =	sbr.rel @!p0 .LBB2_6-.Ltmp3, $4  }
0x22: {  	s21 =	smul.u32 $0x3200, s21  }
0x23: {  	s20 =	sadd.s32 $0x3200, s20;
	s22 =	sshrl.u32 s22, $0x2  }
0x24: {  	s18 =	sadd.s32 $0x10, s18;
	s21 =	sshrl.u32 s21, $0x2;
	s22 =	sadd.s32 $0x1900, s22  }
0x25: {  	[tilespmem:s22], [sflag:$0x1] =	stream.indirect.gather [hbm4b:s3+s11], $0x10, s21, s11, $0xb8;
	[tilespmem:$0x1A900] =	vst v63  }
.LBB2_2:
0x26: {  	s21 =	sadd.s32 $0xFFFFFFFF, s19  }
0x27: {  	s22 =	sshrl.u32 s21, $0x3  }
0x28: {  	s22 =	smul.u32 $0xC80000, s22  }
0x29: {  	_ =	swait.ge [sflag:s13], $0xC800  }
0x2a: {  	s23 =	sand.u32 $0x70, s18;
	[sflag:s13] =	ssyncset.done $0x0;
	s22 =	sadd.s32 s7, s22  }
0x2b: {  	s31 =	sand.u32 $0x1, s21;
	p1 =	sgt.u32 s21, $0x17;
	s22 =	sor.u32 s23, s22  }
0x2c: {  	p0 =	seq.s32 s31, $0x1;
	s23 =	simm.s32 $0xE100;
	s22 =	sshrl.u32 s22, $0x3  }
0x2d: {  	[sflag:s13] =	ssyncadd.s32 $0xFFFF3800;
	s23 =	simm.s32 @!p0 $0x1900;
	s22 =	sadd.s32 s4, s22  }
0x2e: {  	[hbm4b:s22+s14] =	stream.strided.scatter [tilespmem:s23], [sflag:$0x2], $0xC800, s15, s14, $0x38;
	[tilespmem:$0x1A900] =	vst v63  }
0x2f: {  	p0 =	por !p0, p1;
	s22 =	simm.s32 @!p1 $0xC80  }
0x30: {  	s23 =	simm.s32 @!p1 $0x0;
	s22 =	simm.s32 @p0 $0x0;
	p0 =	seq.s32 s21, $0x0  }
0x31: {  	[tilespmem:s22], [sflag:$0x3] =	stream.linear.gather @!p1 [hbm4b:s20+s23], $0xC80, $0x38;
	[tilespmem:$0x1A900] =	vst v63  }
.Ltmp4:
0x32: {  	_ = 	snop;
	(pc) =	sbr.rel @p0 .LBB2_5-.Ltmp4, $4  }
0x33: {  	s22 =	simm.s32 @!p1 $0x3  }
0x34: {  	_ =	swait.ge @!p1 [sflag:s22], $0xC80  }
0x35: {  	[sflag:s22] =	ssyncset.done @!p1 $0x0  }
0x36: {  	[sflag:s22] =	ssyncadd.s32 @!p1 $0xFFFFF380  }
0x37: {  	p0 =	seq.s32 s21, $0x19  }
.Ltmp5:
0x38: {  	_ = 	snop;
	(pc) =	sbr.rel @p0 .LBB2_6-.Ltmp5, $1  }
0x39: {  	_ =	sdelay $0x3  }
.Ltmp6:
0x3a: {  	(pc) =	sbr.rel .LBB2_5-.Ltmp6, $4  }
0x3b: {  	_ = 	snop  }
0x3c: {  	_ =	swait.ge [sflag:s16], $0xC800  }
0x3d: {  	[sflag:s16] =	ssyncset.done $0x0  }
0x3e: {  	[sflag:s16] =	ssyncadd.s32 $0xFFFF3800  }
.LBB2_7:
0x3f: {  	_ =	sfence.sel $0x180000  }
0x40: {  	[bflag:$0x0] =	sbarrier.arrive $0xFFFF  }
0x41: {  	p0 =	sne.s32 s0, $0x0;
	_ =	strace $0x90000047  }
0x42: {  	s0 =	sadd.s32 @!p0 $0x100000, s1;
	[bflag:$0x2] =	sbarrier.arrive $0xFFFF  }
0x43: {  	[sflag:s0] =	ssyncadd.tile.s32 @!p0 $0x1;
	_ =	shalt  }
.Lfunc_end2:
_tile_overlayer_lowered:
.L_overlay_start_2:
0x44: {  	(tag) =	ssettag $0x2  }
0x45: {  	s0 =	rddreg [dreg:$0x0];
	s2 =	stileid.u32  }
0x46: {  	s1 =	rddreg [dreg:$0x1];
	p0 =	sne.s32 s2, $0x0  }
0x47: {  	s3 =	rddreg [dreg:$0x2];
	[bflag:$0x3] =	sbarrier.arrive $0xFFFF;
	s2 =	simm.s32 @!p0 $0x1C03  }
0x48: {  	[timem:s3], [sflag:s2] =	dma.local @!p0 [hbm:s0], s1  }
0x49: {  	s0 =	simm.s32 @!p0 $0x3  }
0x4a: {  	_ =	swait.ge @!p0 [sflag:s0], s1  }
0x4b: {  	s1 =	ssub.s32 @!p0 $0x0, s1;
	[sflag:s0] =	ssyncset.done @!p0 $0x0  }
0x4c: {  	[sflag:s0] =	ssyncadd.s32 @!p0 s1  }
0x4d: {  	[bflag:$0x3] =	sbarrier.arrive $0xFFFF  }
0x4e: {  	_ =	shalt  }

</sc_bundles>
